<compile_context>
chip_gen: v7x
topology: tpu7x:2x2x1
jax: 0.10.2.dev20260603
libtpu: 0.0.44.dev20260713+nightly
codegen_flags: <defaults>
</compile_context>

<pallas_src>
import functools

import jax
import jax.numpy as jnp
from jax import lax
from jax.experimental import pallas as pl
from jax.experimental.pallas import tpu as pltpu
from jax.experimental.pallas import tpu_sc as plsc

HIDDEN = 768
LANES = 16
NVEC = HIDDEN // LANES
NC = 2
NS = 16
NW = NC * NS
EPS_EFF = 1e-12 / float(HIDDEN)
INV_H = 1.0 / float(HIDDEN)

CHUNK = 128


def _rsqrt16(v):
    i = lax.bitcast_convert_type(v, jnp.int32)
    i = jnp.int32(0x5F3759DF) - lax.shift_right_arithmetic(i, jnp.int32(1))
    y = lax.bitcast_convert_type(i, jnp.float32)
    for _ in range(3):
        y = y * (1.5 - 0.5 * v * y * y)
    return y


def _lane_sum(x):
    dnums = lax.GatherDimensionNumbers(
        offset_dims=(), collapsed_slice_dims=(0,), start_index_map=(0,))
    for k in (1, 2, 4, 8):
        perm = lax.iota(jnp.int32, 16) ^ k
        xp = lax.gather(x, perm[:, None], dnums, slice_sizes=(1,),
                        mode=lax.GatherScatterMode.PROMISE_IN_BOUNDS)
        x = x + xp
    return x


def _emb_ln_body(ids_h, tab_h, gam_h, bet_h, out_h,
                 idx_v, rows_v, gam_v, bet_v, gsem):
    wid = lax.axis_index("s") * NC + lax.axis_index("c")
    tpw = ids_h.shape[0] // NW
    nchunk = tpw // CHUNK
    base = wid * tpw

    pltpu.sync_copy(gam_h, gam_v)
    pltpu.sync_copy(bet_h, bet_v)

    def chunk_body(c, carry):
        start = base + c * CHUNK
        pltpu.sync_copy(ids_h.at[pl.ds(start, CHUNK)], idx_v)
        pltpu.async_copy(tab_h.at[idx_v], rows_v, gsem).wait()

        def row_body(r, rcarry):
            s = jnp.zeros((LANES,), jnp.float32)
            q = jnp.zeros((LANES,), jnp.float32)
            for j in range(NVEC):
                x = rows_v[r, pl.ds(j * LANES, LANES)]
                s = s + x
                q = q + x * x
            mean_v = _lane_sum(s) * INV_H
            var_v = _lane_sum(q) * INV_H - mean_v * mean_v
            rstd_v = _rsqrt16(var_v + EPS_EFF)
            for j in range(NVEC):
                sl = pl.ds(j * LANES, LANES)
                x = rows_v[r, sl]
                rows_v[r, sl] = (x - mean_v) * rstd_v * gam_v[sl] + bet_v[sl]
            return rcarry

        lax.fori_loop(0, CHUNK, row_body, 0, unroll=False)
        pltpu.sync_copy(rows_v, out_h.at[pl.ds(start, CHUNK)])
        return carry

    lax.fori_loop(0, nchunk, chunk_body, 0, unroll=False)


@functools.partial(jax.jit, static_argnames=())
def _emb_ln(ids, table, gamma, beta):
    n = ids.shape[0]
    mesh = plsc.VectorSubcoreMesh(core_axis_name="c", subcore_axis_name="s")
    fn = pl.kernel(
        _emb_ln_body,
        mesh=mesh,
        out_type=jax.ShapeDtypeStruct((n, HIDDEN), jnp.float32),
        scratch_types=[
            pltpu.VMEM((CHUNK,), jnp.int32),
            pltpu.VMEM((CHUNK, HIDDEN), jnp.float32),
            pltpu.VMEM((HIDDEN,), jnp.float32),
            pltpu.VMEM((HIDDEN,), jnp.float32),
            pltpu.SemaphoreType.DMA,
        ],
    )
    return fn(ids, table, gamma, beta)


def kernel(input_ids, table, gamma, beta):
    ids = input_ids.reshape(-1).astype(jnp.int32)
    out = _emb_ln(ids, table, gamma, beta)
    return out.reshape(input_ids.shape + (HIDDEN,))

# --- scband reference (transcript-rebuilt; emitter-appended) ---
"""Pipeline reference for scband-modern-bert-embeddings-45870250721409 (READ-ONLY COPY).

The authoritative reference and input builder live on the scoring server;
editing this copy changes nothing except your own understanding.
"""

import jax, jax.numpy as jnp
import numpy as np

VOCAB = 100000
HIDDEN = 768
BATCH = 4
SEQ = 8192
EPS = 1e-12


def setup_inputs(seed: int = 0) -> dict:
    key = jax.random.key(seed)
    k1, k2 = jax.random.split(key)
    input_ids = jax.random.randint(k1, (BATCH, SEQ), 0, VOCAB, dtype=jnp.int64 if jax.config.jax_enable_x64 else jnp.int32)
    table = jax.random.normal(k2, (VOCAB, HIDDEN), dtype=jnp.float32)  # stddev=1.0 init
    gamma = jnp.ones((HIDDEN,), dtype=jnp.float32)
    beta = jnp.zeros((HIDDEN,), dtype=jnp.float32)
    return {"input_ids": input_ids, "table": table, "gamma": gamma, "beta": beta}


def reference(input_ids, table, gamma, beta):
    # token embedding lookup (gather)
    h = jnp.take(table, input_ids, axis=0)  # [B, S, H]
    # scale by sqrt(hidden_size) as in the module
    h = h * (h.shape[-1] ** 0.5)
    # LayerNorm over last axis with scale and bias
    mean = jnp.mean(h, axis=-1, keepdims=True)
    var = jnp.mean(jnp.square(h - mean), axis=-1, keepdims=True)
    h = (h - mean) * jax.lax.rsqrt(var + EPS)
    h = h * gamma + beta
    # dropout rate is 0.0 and deterministic=True, so no dropout applied
    return h

if __name__ == "__main__":
    import jax
    _d = setup_inputs()
    print(jax.jit(kernel)(*tuple(_d.values())))

</pallas_src>

<mosaic_0001>
#map = affine_map<(d0, d1) -> (0)>
#map1 = affine_map<(d0, d1) -> (0, 0)>
module attributes {stable_mosaic.version = 14 : i64} {
  func.func @_emb_ln_body(%arg0: i32, %arg1: i32, %arg2: memref<32768xi32, #tpu.memory_space<hbm>>, %arg3: memref<100000x768xf32, #tpu.memory_space<hbm>>, %arg4: memref<768xf32, #tpu.memory_space<hbm>>, %arg5: memref<768xf32, #tpu.memory_space<hbm>>, %arg6: memref<32768x768xf32, #tpu.memory_space<hbm>>, %arg7: memref<128xi32, #tpu.memory_space<vmem>>, %arg8: memref<128x768xf32, #tpu.memory_space<vmem>>, %arg9: memref<768xf32, #tpu.memory_space<vmem>>, %arg10: memref<768xf32, #tpu.memory_space<vmem>>, %arg11: memref<!tpu.dma_semaphore, #tpu.memory_space<semaphore_mem>>) attributes {dimension_semantics = [#tpu.dimension_semantics<core_parallel>, #tpu.dimension_semantics<subcore_parallel>], iteration_bounds = array<i64: 2, 16>, scalar_prefetch = 0 : i64, scratch_operands = 5 : i64, tpu.core_type = #tpu.core_type<sc_vector_subcore>, window_params = [{transform_indices = #map}, {transform_indices = #map1}, {transform_indices = #map}, {transform_indices = #map}, {transform_indices = #map1}]} {
    %mul3A = arith.constant 2 : i32
    %mul3A_0 = arith.muli %arg1, %mul3A : i32
    %add3A = arith.addi %mul3A_0, %arg0 : i32
    %mul3A_1 = arith.constant 1024 : i32
    %mul3A_2 = arith.muli %add3A, %mul3A_1 : i32
    "tpu.region"() ({
      %run_scoped3A = tpu.sem_alloc : memref<!tpu.dma_semaphore, #tpu.memory_space<semaphore_mem>>
      tpu.enqueue_dma source(%arg4 : memref<768xf32, #tpu.memory_space<hbm>>) target(%arg9 : memref<768xf32, #tpu.memory_space<vmem>>) target_semaphore(%run_scoped3A : memref<!tpu.dma_semaphore, #tpu.memory_space<semaphore_mem>>)
      tpu.wait_dma2 semaphore(%run_scoped3A : memref<!tpu.dma_semaphore, #tpu.memory_space<semaphore_mem>>) src(%arg4 : memref<768xf32, #tpu.memory_space<hbm>>) dst(%arg9 : memref<768xf32, #tpu.memory_space<vmem>>)
      tpu.yield
    }) : () -> ()
    "tpu.region"() ({
      %run_scoped3A = tpu.sem_alloc : memref<!tpu.dma_semaphore, #tpu.memory_space<semaphore_mem>>
      tpu.enqueue_dma source(%arg5 : memref<768xf32, #tpu.memory_space<hbm>>) target(%arg10 : memref<768xf32, #tpu.memory_space<vmem>>) target_semaphore(%run_scoped3A : memref<!tpu.dma_semaphore, #tpu.memory_space<semaphore_mem>>)
      tpu.wait_dma2 semaphore(%run_scoped3A : memref<!tpu.dma_semaphore, #tpu.memory_space<semaphore_mem>>) src(%arg5 : memref<768xf32, #tpu.memory_space<hbm>>) dst(%arg10 : memref<768xf32, #tpu.memory_space<vmem>>)
      tpu.yield
    }) : () -> ()
    %scan3A = arith.constant 0 : i32
    %scan3A_3 = arith.constant 0 : i32
    %scan3A_4 = arith.constant 8 : i32
    %scan3A_5 = arith.addi %scan3A_3, %scan3A_4 : i32
    %scan3A_6 = arith.constant 1 : i32
    scf.for %scan3A_8 = %scan3A_3 to %scan3A_5 step %scan3A_6  : i32 {
      %mul3A_9 = arith.constant 128 : i32
      %mul3A_10 = arith.muli %scan3A_8, %mul3A_9 : i32
      %add3A_11 = arith.addi %mul3A_2, %mul3A_10 : i32
      "tpu.region"() ({
        %run_scoped3A = tpu.sem_alloc : memref<!tpu.dma_semaphore, #tpu.memory_space<semaphore_mem>>
        %dma_start3A_22 = tpu.memref_slice %arg2[%add3A_11] : memref<32768xi32, #tpu.memory_space<hbm>> -> memref<128xi32, #tpu.memory_space<hbm>>
        %dma_start3A_23 = tpu.memref_slice %arg2[%add3A_11] : memref<32768xi32, #tpu.memory_space<hbm>> -> memref<128xi32, #tpu.memory_space<hbm>>
        tpu.enqueue_dma source(%dma_start3A_23 : memref<128xi32, #tpu.memory_space<hbm>>) target(%arg7 : memref<128xi32, #tpu.memory_space<vmem>>) target_semaphore(%run_scoped3A : memref<!tpu.dma_semaphore, #tpu.memory_space<semaphore_mem>>)
        %dma_wait3A_24 = tpu.memref_slice %arg2[%add3A_11] : memref<32768xi32, #tpu.memory_space<hbm>> -> memref<128xi32, #tpu.memory_space<hbm>>
        %dma_wait3A_25 = tpu.memref_slice %arg2[%add3A_11] : memref<32768xi32, #tpu.memory_space<hbm>> -> memref<128xi32, #tpu.memory_space<hbm>>
        tpu.wait_dma2 semaphore(%run_scoped3A : memref<!tpu.dma_semaphore, #tpu.memory_space<semaphore_mem>>) src(%dma_wait3A_25 : memref<128xi32, #tpu.memory_space<hbm>>) dst(%arg7 : memref<128xi32, #tpu.memory_space<vmem>>)
        tpu.yield
      }) : () -> ()
      %dma_start3A = arith.constant 0 : i32
      %dma_start3A_12 = arith.constant 0 : i32
      %dma_start3A_13 = tpu.memref_slice %arg3[%dma_start3A, %dma_start3A_12] : memref<100000x768xf32, #tpu.memory_space<hbm>> -> memref<100000x768xf32, #tpu.memory_space<hbm>>
      tpu.enqueue_indirect_dma source(%dma_start3A_13 : memref<100000x768xf32, #tpu.memory_space<hbm>>) target(%arg8 : memref<128x768xf32, #tpu.memory_space<vmem>>) offsets(%arg7 : memref<128xi32, #tpu.memory_space<vmem>>) semaphore(%arg11 : memref<!tpu.dma_semaphore, #tpu.memory_space<semaphore_mem>>)
      %dma_wait3A = arith.constant 0 : i32
      %dma_wait3A_14 = arith.constant 0 : i32
      %dma_wait3A_15 = tpu.memref_slice %arg3[%dma_wait3A, %dma_wait3A_14] : memref<100000x768xf32, #tpu.memory_space<hbm>> -> memref<100000x768xf32, #tpu.memory_space<hbm>>
      tpu.wait_indirect_dma semaphore(%arg11 : memref<!tpu.dma_semaphore, #tpu.memory_space<semaphore_mem>>) src(%dma_wait3A_15 : memref<100000x768xf32, #tpu.memory_space<hbm>>) dst(%arg8 : memref<128x768xf32, #tpu.memory_space<vmem>>)
      %scan3A_16 = arith.constant 0 : i32
      %scan3A_17 = arith.constant 0 : i32
      %scan3A_18 = arith.constant 128 : i32
      %scan3A_19 = arith.addi %scan3A_17, %scan3A_18 : i32
      %scan3A_20 = arith.constant 1 : i32
      scf.for %scan3A_22 = %scan3A_17 to %scan3A_19 step %scan3A_20  : i32 {
        %broadcast_in_dim3A = arith.constant 0.000000e+00 : f32
        %broadcast_in_dim3A_23 = vector.broadcast %broadcast_in_dim3A : f32 to vector<16xf32>
        %broadcast_in_dim3A_24 = arith.constant 0.000000e+00 : f32
        %broadcast_in_dim3A_25 = vector.broadcast %broadcast_in_dim3A_24 : f32 to vector<16xf32>
        %get3A = arith.index_cast %scan3A_22 : i32 to index
        %get3A_26 = arith.constant 0 : index
        %get3A_27 = tpu.vector_load %arg8[%get3A, %get3A_26] {strides = array<i32>} : memref<128x768xf32, #tpu.memory_space<vmem>>, vector<1x16xf32>,
        %get3A_28 = vector.shape_cast %get3A_27 : vector<1x16xf32> to vector<16xf32>
        %add3A_29 = arith.addf %broadcast_in_dim3A_23, %get3A_28 : vector<16xf32>
        %mul3A_30 = arith.mulf %get3A_28, %get3A_28 : vector<16xf32>
        %add3A_31 = arith.addf %broadcast_in_dim3A_25, %mul3A_30 : vector<16xf32>
        %get3A_32 = arith.index_cast %scan3A_22 : i32 to index
        %get3A_33 = arith.constant 16 : index
        %get3A_34 = tpu.vector_load %arg8[%get3A_32, %get3A_33] {strides = array<i32>} : memref<128x768xf32, #tpu.memory_space<vmem>>, vector<1x16xf32>,
        %get3A_35 = vector.shape_cast %get3A_34 : vector<1x16xf32> to vector<16xf32>
        %add3A_36 = arith.addf %add3A_29, %get3A_35 : vector<16xf32>
        %mul3A_37 = arith.mulf %get3A_35, %get3A_35 : vector<16xf32>
        %add3A_38 = arith.addf %add3A_31, %mul3A_37 : vector<16xf32>
        %get3A_39 = arith.index_cast %scan3A_22 : i32 to index
        %get3A_40 = arith.constant 32 : index
        %get3A_41 = tpu.vector_load %arg8[%get3A_39, %get3A_40] {strides = array<i32>} : memref<128x768xf32, #tpu.memory_space<vmem>>, vector<1x16xf32>,
        %get3A_42 = vector.shape_cast %get3A_41 : vector<1x16xf32> to vector<16xf32>
        %add3A_43 = arith.addf %add3A_36, %get3A_42 : vector<16xf32>
        %mul3A_44 = arith.mulf %get3A_42, %get3A_42 : vector<16xf32>
        %add3A_45 = arith.addf %add3A_38, %mul3A_44 : vector<16xf32>
        %get3A_46 = arith.index_cast %scan3A_22 : i32 to index
        %get3A_47 = arith.constant 48 : index
        %get3A_48 = tpu.vector_load %arg8[%get3A_46, %get3A_47] {strides = array<i32>} : memref<128x768xf32, #tpu.memory_space<vmem>>, vector<1x16xf32>,
        %get3A_49 = vector.shape_cast %get3A_48 : vector<1x16xf32> to vector<16xf32>
        %add3A_50 = arith.addf %add3A_43, %get3A_49 : vector<16xf32>
        %mul3A_51 = arith.mulf %get3A_49, %get3A_49 : vector<16xf32>
        %add3A_52 = arith.addf %add3A_45, %mul3A_51 : vector<16xf32>
        %get3A_53 = arith.index_cast %scan3A_22 : i32 to index
        %get3A_54 = arith.constant 64 : index
        %get3A_55 = tpu.vector_load %arg8[%get3A_53, %get3A_54] {strides = array<i32>} : memref<128x768xf32, #tpu.memory_space<vmem>>, vector<1x16xf32>,
        %get3A_56 = vector.shape_cast %get3A_55 : vector<1x16xf32> to vector<16xf32>
        %add3A_57 = arith.addf %add3A_50, %get3A_56 : vector<16xf32>
        %mul3A_58 = arith.mulf %get3A_56, %get3A_56 : vector<16xf32>
        %add3A_59 = arith.addf %add3A_52, %mul3A_58 : vector<16xf32>
        %get3A_60 = arith.index_cast %scan3A_22 : i32 to index
        %get3A_61 = arith.constant 80 : index
        %get3A_62 = tpu.vector_load %arg8[%get3A_60, %get3A_61] {strides = array<i32>} : memref<128x768xf32, #tpu.memory_space<vmem>>, vector<1x16xf32>,
        %get3A_63 = vector.shape_cast %get3A_62 : vector<1x16xf32> to vector<16xf32>
        %add3A_64 = arith.addf %add3A_57, %get3A_63 : vector<16xf32>
        %mul3A_65 = arith.mulf %get3A_63, %get3A_63 : vector<16xf32>
        %add3A_66 = arith.addf %add3A_59, %mul3A_65 : vector<16xf32>
        %get3A_67 = arith.index_cast %scan3A_22 : i32 to index
        %get3A_68 = arith.constant 96 : index
        %get3A_69 = tpu.vector_load %arg8[%get3A_67, %get3A_68] {strides = array<i32>} : memref<128x768xf32, #tpu.memory_space<vmem>>, vector<1x16xf32>,
        %get3A_70 = vector.shape_cast %get3A_69 : vector<1x16xf32> to vector<16xf32>
        %add3A_71 = arith.addf %add3A_64, %get3A_70 : vector<16xf32>
        %mul3A_72 = arith.mulf %get3A_70, %get3A_70 : vector<16xf32>
        %add3A_73 = arith.addf %add3A_66, %mul3A_72 : vector<16xf32>
        %get3A_74 = arith.index_cast %scan3A_22 : i32 to index
        %get3A_75 = arith.constant 112 : index
        %get3A_76 = tpu.vector_load %arg8[%get3A_74, %get3A_75] {strides = array<i32>} : memref<128x768xf32, #tpu.memory_space<vmem>>, vector<1x16xf32>,
        %get3A_77 = vector.shape_cast %get3A_76 : vector<1x16xf32> to vector<16xf32>
        %add3A_78 = arith.addf %add3A_71, %get3A_77 : vector<16xf32>
        %mul3A_79 = arith.mulf %get3A_77, %get3A_77 : vector<16xf32>
        %add3A_80 = arith.addf %add3A_73, %mul3A_79 : vector<16xf32>
        %get3A_81 = arith.index_cast %scan3A_22 : i32 to index
        %get3A_82 = arith.constant 128 : index
        %get3A_83 = tpu.vector_load %arg8[%get3A_81, %get3A_82] {strides = array<i32>} : memref<128x768xf32, #tpu.memory_space<vmem>>, vector<1x16xf32>,
        %get3A_84 = vector.shape_cast %get3A_83 : vector<1x16xf32> to vector<16xf32>
        %add3A_85 = arith.addf %add3A_78, %get3A_84 : vector<16xf32>
        %mul3A_86 = arith.mulf %get3A_84, %get3A_84 : vector<16xf32>
        %add3A_87 = arith.addf %add3A_80, %mul3A_86 : vector<16xf32>
        %get3A_88 = arith.index_cast %scan3A_22 : i32 to index
        %get3A_89 = arith.constant 144 : index
        %get3A_90 = tpu.vector_load %arg8[%get3A_88, %get3A_89] {strides = array<i32>} : memref<128x768xf32, #tpu.memory_space<vmem>>, vector<1x16xf32>,
        %get3A_91 = vector.shape_cast %get3A_90 : vector<1x16xf32> to vector<16xf32>
        %add3A_92 = arith.addf %add3A_85, %get3A_91 : vector<16xf32>
        %mul3A_93 = arith.mulf %get3A_91, %get3A_91 : vector<16xf32>
        %add3A_94 = arith.addf %add3A_87, %mul3A_93 : vector<16xf32>
        %get3A_95 = arith.index_cast %scan3A_22 : i32 to index
        %get3A_96 = arith.constant 160 : index
        %get3A_97 = tpu.vector_load %arg8[%get3A_95, %get3A_96] {strides = array<i32>} : memref<128x768xf32, #tpu.memory_space<vmem>>, vector<1x16xf32>,
        %get3A_98 = vector.shape_cast %get3A_97 : vector<1x16xf32> to vector<16xf32>
        %add3A_99 = arith.addf %add3A_92, %get3A_98 : vector<16xf32>
        %mul3A_100 = arith.mulf %get3A_98, %get3A_98 : vector<16xf32>
        %add3A_101 = arith.addf %add3A_94, %mul3A_100 : vector<16xf32>
        %get3A_102 = arith.index_cast %scan3A_22 : i32 to index
        %get3A_103 = arith.constant 176 : index
        %get3A_104 = tpu.vector_load %arg8[%get3A_102, %get3A_103] {strides = array<i32>} : memref<128x768xf32, #tpu.memory_space<vmem>>, vector<1x16xf32>,
        %get3A_105 = vector.shape_cast %get3A_104 : vector<1x16xf32> to vector<16xf32>
        %add3A_106 = arith.addf %add3A_99, %get3A_105 : vector<16xf32>
        %mul3A_107 = arith.mulf %get3A_105, %get3A_105 : vector<16xf32>
        %add3A_108 = arith.addf %add3A_101, %mul3A_107 : vector<16xf32>
        %get3A_109 = arith.index_cast %scan3A_22 : i32 to index
        %get3A_110 = arith.constant 192 : index
        %get3A_111 = tpu.vector_load %arg8[%get3A_109, %get3A_110] {strides = array<i32>} : memref<128x768xf32, #tpu.memory_space<vmem>>, vector<1x16xf32>,
        %get3A_112 = vector.shape_cast %get3A_111 : vector<1x16xf32> to vector<16xf32>
        %add3A_113 = arith.addf %add3A_106, %get3A_112 : vector<16xf32>
        %mul3A_114 = arith.mulf %get3A_112, %get3A_112 : vector<16xf32>
        %add3A_115 = arith.addf %add3A_108, %mul3A_114 : vector<16xf32>
        %get3A_116 = arith.index_cast %scan3A_22 : i32 to index
        %get3A_117 = arith.constant 208 : index
        %get3A_118 = tpu.vector_load %arg8[%get3A_116, %get3A_117] {strides = array<i32>} : memref<128x768xf32, #tpu.memory_space<vmem>>, vector<1x16xf32>,
        %get3A_119 = vector.shape_cast %get3A_118 : vector<1x16xf32> to vector<16xf32>
        %add3A_120 = arith.addf %add3A_113, %get3A_119 : vector<16xf32>
        %mul3A_121 = arith.mulf %get3A_119, %get3A_119 : vector<16xf32>
        %add3A_122 = arith.addf %add3A_115, %mul3A_121 : vector<16xf32>
        %get3A_123 = arith.index_cast %scan3A_22 : i32 to index
        %get3A_124 = arith.constant 224 : index
        %get3A_125 = tpu.vector_load %arg8[%get3A_123, %get3A_124] {strides = array<i32>} : memref<128x768xf32, #tpu.memory_space<vmem>>, vector<1x16xf32>,
        %get3A_126 = vector.shape_cast %get3A_125 : vector<1x16xf32> to vector<16xf32>
        %add3A_127 = arith.addf %add3A_120, %get3A_126 : vector<16xf32>
        %mul3A_128 = arith.mulf %get3A_126, %get3A_126 : vector<16xf32>
        %add3A_129 = arith.addf %add3A_122, %mul3A_128 : vector<16xf32>
        %get3A_130 = arith.index_cast %scan3A_22 : i32 to index
        %get3A_131 = arith.constant 240 : index
        %get3A_132 = tpu.vector_load %arg8[%get3A_130, %get3A_131] {strides = array<i32>} : memref<128x768xf32, #tpu.memory_space<vmem>>, vector<1x16xf32>,
        %get3A_133 = vector.shape_cast %get3A_132 : vector<1x16xf32> to vector<16xf32>
        %add3A_134 = arith.addf %add3A_127, %get3A_133 : vector<16xf32>
        %mul3A_135 = arith.mulf %get3A_133, %get3A_133 : vector<16xf32>
        %add3A_136 = arith.addf %add3A_129, %mul3A_135 : vector<16xf32>
        %get3A_137 = arith.index_cast %scan3A_22 : i32 to index
        %get3A_138 = arith.constant 256 : index
        %get3A_139 = tpu.vector_load %arg8[%get3A_137, %get3A_138] {strides = array<i32>} : memref<128x768xf32, #tpu.memory_space<vmem>>, vector<1x16xf32>,
        %get3A_140 = vector.shape_cast %get3A_139 : vector<1x16xf32> to vector<16xf32>
        %add3A_141 = arith.addf %add3A_134, %get3A_140 : vector<16xf32>
        %mul3A_142 = arith.mulf %get3A_140, %get3A_140 : vector<16xf32>
        %add3A_143 = arith.addf %add3A_136, %mul3A_142 : vector<16xf32>
        %get3A_144 = arith.index_cast %scan3A_22 : i32 to index
        %get3A_145 = arith.constant 272 : index
        %get3A_146 = tpu.vector_load %arg8[%get3A_144, %get3A_145] {strides = array<i32>} : memref<128x768xf32, #tpu.memory_space<vmem>>, vector<1x16xf32>,
        %get3A_147 = vector.shape_cast %get3A_146 : vector<1x16xf32> to vector<16xf32>
        %add3A_148 = arith.addf %add3A_141, %get3A_147 : vector<16xf32>
        %mul3A_149 = arith.mulf %get3A_147, %get3A_147 : vector<16xf32>
        %add3A_150 = arith.addf %add3A_143, %mul3A_149 : vector<16xf32>
        %get3A_151 = arith.index_cast %scan3A_22 : i32 to index
        %get3A_152 = arith.constant 288 : index
        %get3A_153 = tpu.vector_load %arg8[%get3A_151, %get3A_152] {strides = array<i32>} : memref<128x768xf32, #tpu.memory_space<vmem>>, vector<1x16xf32>,
        %get3A_154 = vector.shape_cast %get3A_153 : vector<1x16xf32> to vector<16xf32>
        %add3A_155 = arith.addf %add3A_148, %get3A_154 : vector<16xf32>
        %mul3A_156 = arith.mulf %get3A_154, %get3A_154 : vector<16xf32>
        %add3A_157 = arith.addf %add3A_150, %mul3A_156 : vector<16xf32>
        %get3A_158 = arith.index_cast %scan3A_22 : i32 to index
        %get3A_159 = arith.constant 304 : index
        %get3A_160 = tpu.vector_load %arg8[%get3A_158, %get3A_159] {strides = array<i32>} : memref<128x768xf32, #tpu.memory_space<vmem>>, vector<1x16xf32>,
        %get3A_161 = vector.shape_cast %get3A_160 : vector<1x16xf32> to vector<16xf32>
        %add3A_162 = arith.addf %add3A_155, %get3A_161 : vector<16xf32>
        %mul3A_163 = arith.mulf %get3A_161, %get3A_161 : vector<16xf32>
        %add3A_164 = arith.addf %add3A_157, %mul3A_163 : vector<16xf32>
        %get3A_165 = arith.index_cast %scan3A_22 : i32 to index
        %get3A_166 = arith.constant 320 : index
        %get3A_167 = tpu.vector_load %arg8[%get3A_165, %get3A_166] {strides = array<i32>} : memref<128x768xf32, #tpu.memory_space<vmem>>, vector<1x16xf32>,
        %get3A_168 = vector.shape_cast %get3A_167 : vector<1x16xf32> to vector<16xf32>
        %add3A_169 = arith.addf %add3A_162, %get3A_168 : vector<16xf32>
        %mul3A_170 = arith.mulf %get3A_168, %get3A_168 : vector<16xf32>
        %add3A_171 = arith.addf %add3A_164, %mul3A_170 : vector<16xf32>
        %get3A_172 = arith.index_cast %scan3A_22 : i32 to index
        %get3A_173 = arith.constant 336 : index
        %get3A_174 = tpu.vector_load %arg8[%get3A_172, %get3A_173] {strides = array<i32>} : memref<128x768xf32, #tpu.memory_space<vmem>>, vector<1x16xf32>,
        %get3A_175 = vector.shape_cast %get3A_174 : vector<1x16xf32> to vector<16xf32>
        %add3A_176 = arith.addf %add3A_169, %get3A_175 : vector<16xf32>
        %mul3A_177 = arith.mulf %get3A_175, %get3A_175 : vector<16xf32>
        %add3A_178 = arith.addf %add3A_171, %mul3A_177 : vector<16xf32>
        %get3A_179 = arith.index_cast %scan3A_22 : i32 to index
        %get3A_180 = arith.constant 352 : index
        %get3A_181 = tpu.vector_load %arg8[%get3A_179, %get3A_180] {strides = array<i32>} : memref<128x768xf32, #tpu.memory_space<vmem>>, vector<1x16xf32>,
        %get3A_182 = vector.shape_cast %get3A_181 : vector<1x16xf32> to vector<16xf32>
        %add3A_183 = arith.addf %add3A_176, %get3A_182 : vector<16xf32>
        %mul3A_184 = arith.mulf %get3A_182, %get3A_182 : vector<16xf32>
        %add3A_185 = arith.addf %add3A_178, %mul3A_184 : vector<16xf32>
        %get3A_186 = arith.index_cast %scan3A_22 : i32 to index
        %get3A_187 = arith.constant 368 : index
        %get3A_188 = tpu.vector_load %arg8[%get3A_186, %get3A_187] {strides = array<i32>} : memref<128x768xf32, #tpu.memory_space<vmem>>, vector<1x16xf32>,
        %get3A_189 = vector.shape_cast %get3A_188 : vector<1x16xf32> to vector<16xf32>
        %add3A_190 = arith.addf %add3A_183, %get3A_189 : vector<16xf32>
        %mul3A_191 = arith.mulf %get3A_189, %get3A_189 : vector<16xf32>
        %add3A_192 = arith.addf %add3A_185, %mul3A_191 : vector<16xf32>
        %get3A_193 = arith.index_cast %scan3A_22 : i32 to index
        %get3A_194 = arith.constant 384 : index
        %get3A_195 = tpu.vector_load %arg8[%get3A_193, %get3A_194] {strides = array<i32>} : memref<128x768xf32, #tpu.memory_space<vmem>>, vector<1x16xf32>,
        %get3A_196 = vector.shape_cast %get3A_195 : vector<1x16xf32> to vector<16xf32>
        %add3A_197 = arith.addf %add3A_190, %get3A_196 : vector<16xf32>
        %mul3A_198 = arith.mulf %get3A_196, %get3A_196 : vector<16xf32>
        %add3A_199 = arith.addf %add3A_192, %mul3A_198 : vector<16xf32>
        %get3A_200 = arith.index_cast %scan3A_22 : i32 to index
        %get3A_201 = arith.constant 400 : index
        %get3A_202 = tpu.vector_load %arg8[%get3A_200, %get3A_201] {strides = array<i32>} : memref<128x768xf32, #tpu.memory_space<vmem>>, vector<1x16xf32>,
        %get3A_203 = vector.shape_cast %get3A_202 : vector<1x16xf32> to vector<16xf32>
        %add3A_204 = arith.addf %add3A_197, %get3A_203 : vector<16xf32>
        %mul3A_205 = arith.mulf %get3A_203, %get3A_203 : vector<16xf32>
        %add3A_206 = arith.addf %add3A_199, %mul3A_205 : vector<16xf32>
        %get3A_207 = arith.index_cast %scan3A_22 : i32 to index
        %get3A_208 = arith.constant 416 : index
        %get3A_209 = tpu.vector_load %arg8[%get3A_207, %get3A_208] {strides = array<i32>} : memref<128x768xf32, #tpu.memory_space<vmem>>, vector<1x16xf32>,
        %get3A_210 = vector.shape_cast %get3A_209 : vector<1x16xf32> to vector<16xf32>
        %add3A_211 = arith.addf %add3A_204, %get3A_210 : vector<16xf32>
        %mul3A_212 = arith.mulf %get3A_210, %get3A_210 : vector<16xf32>
        %add3A_213 = arith.addf %add3A_206, %mul3A_212 : vector<16xf32>
        %get3A_214 = arith.index_cast %scan3A_22 : i32 to index
        %get3A_215 = arith.constant 432 : index
        %get3A_216 = tpu.vector_load %arg8[%get3A_214, %get3A_215] {strides = array<i32>} : memref<128x768xf32, #tpu.memory_space<vmem>>, vector<1x16xf32>,
        %get3A_217 = vector.shape_cast %get3A_216 : vector<1x16xf32> to vector<16xf32>
        %add3A_218 = arith.addf %add3A_211, %get3A_217 : vector<16xf32>
        %mul3A_219 = arith.mulf %get3A_217, %get3A_217 : vector<16xf32>
        %add3A_220 = arith.addf %add3A_213, %mul3A_219 : vector<16xf32>
        %get3A_221 = arith.index_cast %scan3A_22 : i32 to index
        %get3A_222 = arith.constant 448 : index
        %get3A_223 = tpu.vector_load %arg8[%get3A_221, %get3A_222] {strides = array<i32>} : memref<128x768xf32, #tpu.memory_space<vmem>>, vector<1x16xf32>,
        %get3A_224 = vector.shape_cast %get3A_223 : vector<1x16xf32> to vector<16xf32>
        %add3A_225 = arith.addf %add3A_218, %get3A_224 : vector<16xf32>
        %mul3A_226 = arith.mulf %get3A_224, %get3A_224 : vector<16xf32>
        %add3A_227 = arith.addf %add3A_220, %mul3A_226 : vector<16xf32>
        %get3A_228 = arith.index_cast %scan3A_22 : i32 to index
        %get3A_229 = arith.constant 464 : index
        %get3A_230 = tpu.vector_load %arg8[%get3A_228, %get3A_229] {strides = array<i32>} : memref<128x768xf32, #tpu.memory_space<vmem>>, vector<1x16xf32>,
        %get3A_231 = vector.shape_cast %get3A_230 : vector<1x16xf32> to vector<16xf32>
        %add3A_232 = arith.addf %add3A_225, %get3A_231 : vector<16xf32>
        %mul3A_233 = arith.mulf %get3A_231, %get3A_231 : vector<16xf32>
        %add3A_234 = arith.addf %add3A_227, %mul3A_233 : vector<16xf32>
        %get3A_235 = arith.index_cast %scan3A_22 : i32 to index
        %get3A_236 = arith.constant 480 : index
        %get3A_237 = tpu.vector_load %arg8[%get3A_235, %get3A_236] {strides = array<i32>} : memref<128x768xf32, #tpu.memory_space<vmem>>, vector<1x16xf32>,
        %get3A_238 = vector.shape_cast %get3A_237 : vector<1x16xf32> to vector<16xf32>
        %add3A_239 = arith.addf %add3A_232, %get3A_238 : vector<16xf32>
        %mul3A_240 = arith.mulf %get3A_238, %get3A_238 : vector<16xf32>
        %add3A_241 = arith.addf %add3A_234, %mul3A_240 : vector<16xf32>
        %get3A_242 = arith.index_cast %scan3A_22 : i32 to index
        %get3A_243 = arith.constant 496 : index
        %get3A_244 = tpu.vector_load %arg8[%get3A_242, %get3A_243] {strides = array<i32>} : memref<128x768xf32, #tpu.memory_space<vmem>>, vector<1x16xf32>,
        %get3A_245 = vector.shape_cast %get3A_244 : vector<1x16xf32> to vector<16xf32>
        %add3A_246 = arith.addf %add3A_239, %get3A_245 : vector<16xf32>
        %mul3A_247 = arith.mulf %get3A_245, %get3A_245 : vector<16xf32>
        %add3A_248 = arith.addf %add3A_241, %mul3A_247 : vector<16xf32>
        %get3A_249 = arith.index_cast %scan3A_22 : i32 to index
        %get3A_250 = arith.constant 512 : index
        %get3A_251 = tpu.vector_load %arg8[%get3A_249, %get3A_250] {strides = array<i32>} : memref<128x768xf32, #tpu.memory_space<vmem>>, vector<1x16xf32>,
        %get3A_252 = vector.shape_cast %get3A_251 : vector<1x16xf32> to vector<16xf32>
        %add3A_253 = arith.addf %add3A_246, %get3A_252 : vector<16xf32>
        %mul3A_254 = arith.mulf %get3A_252, %get3A_252 : vector<16xf32>
        %add3A_255 = arith.addf %add3A_248, %mul3A_254 : vector<16xf32>
        %get3A_256 = arith.index_cast %scan3A_22 : i32 to index
        %get3A_257 = arith.constant 528 : index
        %get3A_258 = tpu.vector_load %arg8[%get3A_256, %get3A_257] {strides = array<i32>} : memref<128x768xf32, #tpu.memory_space<vmem>>, vector<1x16xf32>,
        %get3A_259 = vector.shape_cast %get3A_258 : vector<1x16xf32> to vector<16xf32>
        %add3A_260 = arith.addf %add3A_253, %get3A_259 : vector<16xf32>
        %mul3A_261 = arith.mulf %get3A_259, %get3A_259 : vector<16xf32>
        %add3A_262 = arith.addf %add3A_255, %mul3A_261 : vector<16xf32>
        %get3A_263 = arith.index_cast %scan3A_22 : i32 to index
        %get3A_264 = arith.constant 544 : index
        %get3A_265 = tpu.vector_load %arg8[%get3A_263, %get3A_264] {strides = array<i32>} : memref<128x768xf32, #tpu.memory_space<vmem>>, vector<1x16xf32>,
        %get3A_266 = vector.shape_cast %get3A_265 : vector<1x16xf32> to vector<16xf32>
        %add3A_267 = arith.addf %add3A_260, %get3A_266 : vector<16xf32>
        %mul3A_268 = arith.mulf %get3A_266, %get3A_266 : vector<16xf32>
        %add3A_269 = arith.addf %add3A_262, %mul3A_268 : vector<16xf32>
        %get3A_270 = arith.index_cast %scan3A_22 : i32 to index
        %get3A_271 = arith.constant 560 : index
        %get3A_272 = tpu.vector_load %arg8[%get3A_270, %get3A_271] {strides = array<i32>} : memref<128x768xf32, #tpu.memory_space<vmem>>, vector<1x16xf32>,
        %get3A_273 = vector.shape_cast %get3A_272 : vector<1x16xf32> to vector<16xf32>
        %add3A_274 = arith.addf %add3A_267, %get3A_273 : vector<16xf32>
        %mul3A_275 = arith.mulf %get3A_273, %get3A_273 : vector<16xf32>
        %add3A_276 = arith.addf %add3A_269, %mul3A_275 : vector<16xf32>
        %get3A_277 = arith.index_cast %scan3A_22 : i32 to index
        %get3A_278 = arith.constant 576 : index
        %get3A_279 = tpu.vector_load %arg8[%get3A_277, %get3A_278] {strides = array<i32>} : memref<128x768xf32, #tpu.memory_space<vmem>>, vector<1x16xf32>,
        %get3A_280 = vector.shape_cast %get3A_279 : vector<1x16xf32> to vector<16xf32>
        %add3A_281 = arith.addf %add3A_274, %get3A_280 : vector<16xf32>
        %mul3A_282 = arith.mulf %get3A_280, %get3A_280 : vector<16xf32>
        %add3A_283 = arith.addf %add3A_276, %mul3A_282 : vector<16xf32>
        %get3A_284 = arith.index_cast %scan3A_22 : i32 to index
        %get3A_285 = arith.constant 592 : index
        %get3A_286 = tpu.vector_load %arg8[%get3A_284, %get3A_285] {strides = array<i32>} : memref<128x768xf32, #tpu.memory_space<vmem>>, vector<1x16xf32>,
        %get3A_287 = vector.shape_cast %get3A_286 : vector<1x16xf32> to vector<16xf32>
        %add3A_288 = arith.addf %add3A_281, %get3A_287 : vector<16xf32>
        %mul3A_289 = arith.mulf %get3A_287, %get3A_287 : vector<16xf32>
        %add3A_290 = arith.addf %add3A_283, %mul3A_289 : vector<16xf32>
        %get3A_291 = arith.index_cast %scan3A_22 : i32 to index
        %get3A_292 = arith.constant 608 : index
        %get3A_293 = tpu.vector_load %arg8[%get3A_291, %get3A_292] {strides = array<i32>} : memref<128x768xf32, #tpu.memory_space<vmem>>, vector<1x16xf32>,
        %get3A_294 = vector.shape_cast %get3A_293 : vector<1x16xf32> to vector<16xf32>
        %add3A_295 = arith.addf %add3A_288, %get3A_294 : vector<16xf32>
        %mul3A_296 = arith.mulf %get3A_294, %get3A_294 : vector<16xf32>
        %add3A_297 = arith.addf %add3A_290, %mul3A_296 : vector<16xf32>
        %get3A_298 = arith.index_cast %scan3A_22 : i32 to index
        %get3A_299 = arith.constant 624 : index
        %get3A_300 = tpu.vector_load %arg8[%get3A_298, %get3A_299] {strides = array<i32>} : memref<128x768xf32, #tpu.memory_space<vmem>>, vector<1x16xf32>,
        %get3A_301 = vector.shape_cast %get3A_300 : vector<1x16xf32> to vector<16xf32>
        %add3A_302 = arith.addf %add3A_295, %get3A_301 : vector<16xf32>
        %mul3A_303 = arith.mulf %get3A_301, %get3A_301 : vector<16xf32>
        %add3A_304 = arith.addf %add3A_297, %mul3A_303 : vector<16xf32>
        %get3A_305 = arith.index_cast %scan3A_22 : i32 to index
        %get3A_306 = arith.constant 640 : index
        %get3A_307 = tpu.vector_load %arg8[%get3A_305, %get3A_306] {strides = array<i32>} : memref<128x768xf32, #tpu.memory_space<vmem>>, vector<1x16xf32>,
        %get3A_308 = vector.shape_cast %get3A_307 : vector<1x16xf32> to vector<16xf32>
        %add3A_309 = arith.addf %add3A_302, %get3A_308 : vector<16xf32>
        %mul3A_310 = arith.mulf %get3A_308, %get3A_308 : vector<16xf32>
        %add3A_311 = arith.addf %add3A_304, %mul3A_310 : vector<16xf32>
        %get3A_312 = arith.index_cast %scan3A_22 : i32 to index
        %get3A_313 = arith.constant 656 : index
        %get3A_314 = tpu.vector_load %arg8[%get3A_312, %get3A_313] {strides = array<i32>} : memref<128x768xf32, #tpu.memory_space<vmem>>, vector<1x16xf32>,
        %get3A_315 = vector.shape_cast %get3A_314 : vector<1x16xf32> to vector<16xf32>
        %add3A_316 = arith.addf %add3A_309, %get3A_315 : vector<16xf32>
        %mul3A_317 = arith.mulf %get3A_315, %get3A_315 : vector<16xf32>
        %add3A_318 = arith.addf %add3A_311, %mul3A_317 : vector<16xf32>
        %get3A_319 = arith.index_cast %scan3A_22 : i32 to index
        %get3A_320 = arith.constant 672 : index
        %get3A_321 = tpu.vector_load %arg8[%get3A_319, %get3A_320] {strides = array<i32>} : memref<128x768xf32, #tpu.memory_space<vmem>>, vector<1x16xf32>,
        %get3A_322 = vector.shape_cast %get3A_321 : vector<1x16xf32> to vector<16xf32>
        %add3A_323 = arith.addf %add3A_316, %get3A_322 : vector<16xf32>
        %mul3A_324 = arith.mulf %get3A_322, %get3A_322 : vector<16xf32>
        %add3A_325 = arith.addf %add3A_318, %mul3A_324 : vector<16xf32>
        %get3A_326 = arith.index_cast %scan3A_22 : i32 to index
        %get3A_327 = arith.constant 688 : index
        %get3A_328 = tpu.vector_load %arg8[%get3A_326, %get3A_327] {strides = array<i32>} : memref<128x768xf32, #tpu.memory_space<vmem>>, vector<1x16xf32>,
        %get3A_329 = vector.shape_cast %get3A_328 : vector<1x16xf32> to vector<16xf32>
        %add3A_330 = arith.addf %add3A_323, %get3A_329 : vector<16xf32>
        %mul3A_331 = arith.mulf %get3A_329, %get3A_329 : vector<16xf32>
        %add3A_332 = arith.addf %add3A_325, %mul3A_331 : vector<16xf32>
        %get3A_333 = arith.index_cast %scan3A_22 : i32 to index
        %get3A_334 = arith.constant 704 : index
        %get3A_335 = tpu.vector_load %arg8[%get3A_333, %get3A_334] {strides = array<i32>} : memref<128x768xf32, #tpu.memory_space<vmem>>, vector<1x16xf32>,
        %get3A_336 = vector.shape_cast %get3A_335 : vector<1x16xf32> to vector<16xf32>
        %add3A_337 = arith.addf %add3A_330, %get3A_336 : vector<16xf32>
        %mul3A_338 = arith.mulf %get3A_336, %get3A_336 : vector<16xf32>
        %add3A_339 = arith.addf %add3A_332, %mul3A_338 : vector<16xf32>
        %get3A_340 = arith.index_cast %scan3A_22 : i32 to index
        %get3A_341 = arith.constant 720 : index
        %get3A_342 = tpu.vector_load %arg8[%get3A_340, %get3A_341] {strides = array<i32>} : memref<128x768xf32, #tpu.memory_space<vmem>>, vector<1x16xf32>,
        %get3A_343 = vector.shape_cast %get3A_342 : vector<1x16xf32> to vector<16xf32>
        %add3A_344 = arith.addf %add3A_337, %get3A_343 : vector<16xf32>
        %mul3A_345 = arith.mulf %get3A_343, %get3A_343 : vector<16xf32>
        %add3A_346 = arith.addf %add3A_339, %mul3A_345 : vector<16xf32>
        %get3A_347 = arith.index_cast %scan3A_22 : i32 to index
        %get3A_348 = arith.constant 736 : index
        %get3A_349 = tpu.vector_load %arg8[%get3A_347, %get3A_348] {strides = array<i32>} : memref<128x768xf32, #tpu.memory_space<vmem>>, vector<1x16xf32>,
        %get3A_350 = vector.shape_cast %get3A_349 : vector<1x16xf32> to vector<16xf32>
        %add3A_351 = arith.addf %add3A_344, %get3A_350 : vector<16xf32>
        %mul3A_352 = arith.mulf %get3A_350, %get3A_350 : vector<16xf32>
        %add3A_353 = arith.addf %add3A_346, %mul3A_352 : vector<16xf32>
        %get3A_354 = arith.index_cast %scan3A_22 : i32 to index
        %get3A_355 = arith.constant 752 : index
        %get3A_356 = tpu.vector_load %arg8[%get3A_354, %get3A_355] {strides = array<i32>} : memref<128x768xf32, #tpu.memory_space<vmem>>, vector<1x16xf32>,
        %get3A_357 = vector.shape_cast %get3A_356 : vector<1x16xf32> to vector<16xf32>
        %add3A_358 = arith.addf %add3A_351, %get3A_357 : vector<16xf32>
        %mul3A_359 = arith.mulf %get3A_357, %get3A_357 : vector<16xf32>
        %add3A_360 = arith.addf %add3A_353, %mul3A_359 : vector<16xf32>
        %iota3A = tpu.iota {dimensions = array<i32: 0>} : vector<16xi32>
        %xor3A = arith.constant 1 : i32
        %xor3A_361 = vector.broadcast %xor3A : i32 to vector<16xi32>
        %xor3A_362 = arith.xori %iota3A, %xor3A_361 : vector<16xi32>
        %broadcast_in_dim3A_363 = vector.shape_cast %xor3A_362 : vector<16xi32> to vector<16x1xi32>
        %gather3A = vector.shape_cast %broadcast_in_dim3A_363 : vector<16x1xi32> to vector<16xi32>
        %gather3A_364 = tpu.dynamic_gather %add3A_358[%gather3A] in [0] : vector<16xf32>, vector<16xi32> -> vector<16xf32>
        %add3A_365 = arith.addf %add3A_358, %gather3A_364 : vector<16xf32>
        %iota3A_366 = tpu.iota {dimensions = array<i32: 0>} : vector<16xi32>
        %xor3A_367 = arith.constant 2 : i32
        %xor3A_368 = vector.broadcast %xor3A_367 : i32 to vector<16xi32>
        %xor3A_369 = arith.xori %iota3A_366, %xor3A_368 : vector<16xi32>
        %broadcast_in_dim3A_370 = vector.shape_cast %xor3A_369 : vector<16xi32> to vector<16x1xi32>
        %gather3A_371 = vector.shape_cast %broadcast_in_dim3A_370 : vector<16x1xi32> to vector<16xi32>
        %gather3A_372 = tpu.dynamic_gather %add3A_365[%gather3A_371] in [0] : vector<16xf32>, vector<16xi32> -> vector<16xf32>
        %add3A_373 = arith.addf %add3A_365, %gather3A_372 : vector<16xf32>
        %iota3A_374 = tpu.iota {dimensions = array<i32: 0>} : vector<16xi32>
        %xor3A_375 = arith.constant 4 : i32
        %xor3A_376 = vector.broadcast %xor3A_375 : i32 to vector<16xi32>
        %xor3A_377 = arith.xori %iota3A_374, %xor3A_376 : vector<16xi32>
        %broadcast_in_dim3A_378 = vector.shape_cast %xor3A_377 : vector<16xi32> to vector<16x1xi32>
        %gather3A_379 = vector.shape_cast %broadcast_in_dim3A_378 : vector<16x1xi32> to vector<16xi32>
        %gather3A_380 = tpu.dynamic_gather %add3A_373[%gather3A_379] in [0] : vector<16xf32>, vector<16xi32> -> vector<16xf32>
        %add3A_381 = arith.addf %add3A_373, %gather3A_380 : vector<16xf32>
        %iota3A_382 = tpu.iota {dimensions = array<i32: 0>} : vector<16xi32>
        %xor3A_383 = arith.constant 8 : i32
        %xor3A_384 = vector.broadcast %xor3A_383 : i32 to vector<16xi32>
        %xor3A_385 = arith.xori %iota3A_382, %xor3A_384 : vector<16xi32>
        %broadcast_in_dim3A_386 = vector.shape_cast %xor3A_385 : vector<16xi32> to vector<16x1xi32>
        %gather3A_387 = vector.shape_cast %broadcast_in_dim3A_386 : vector<16x1xi32> to vector<16xi32>
        %gather3A_388 = tpu.dynamic_gather %add3A_381[%gather3A_387] in [0] : vector<16xf32>, vector<16xi32> -> vector<16xf32>
        %add3A_389 = arith.addf %add3A_381, %gather3A_388 : vector<16xf32>
        %mul3A_390 = arith.constant 0.00130208337 : f32
        %mul3A_391 = vector.broadcast %mul3A_390 : f32 to vector<16xf32>
        %mul3A_392 = arith.mulf %add3A_389, %mul3A_391 : vector<16xf32>
        %iota3A_393 = tpu.iota {dimensions = array<i32: 0>} : vector<16xi32>
        %xor3A_394 = arith.constant 1 : i32
        %xor3A_395 = vector.broadcast %xor3A_394 : i32 to vector<16xi32>
        %xor3A_396 = arith.xori %iota3A_393, %xor3A_395 : vector<16xi32>
        %broadcast_in_dim3A_397 = vector.shape_cast %xor3A_396 : vector<16xi32> to vector<16x1xi32>
        %gather3A_398 = vector.shape_cast %broadcast_in_dim3A_397 : vector<16x1xi32> to vector<16xi32>
        %gather3A_399 = tpu.dynamic_gather %add3A_360[%gather3A_398] in [0] : vector<16xf32>, vector<16xi32> -> vector<16xf32>
        %add3A_400 = arith.addf %add3A_360, %gather3A_399 : vector<16xf32>
        %iota3A_401 = tpu.iota {dimensions = array<i32: 0>} : vector<16xi32>
        %xor3A_402 = arith.constant 2 : i32
        %xor3A_403 = vector.broadcast %xor3A_402 : i32 to vector<16xi32>
        %xor3A_404 = arith.xori %iota3A_401, %xor3A_403 : vector<16xi32>
        %broadcast_in_dim3A_405 = vector.shape_cast %xor3A_404 : vector<16xi32> to vector<16x1xi32>
        %gather3A_406 = vector.shape_cast %broadcast_in_dim3A_405 : vector<16x1xi32> to vector<16xi32>
        %gather3A_407 = tpu.dynamic_gather %add3A_400[%gather3A_406] in [0] : vector<16xf32>, vector<16xi32> -> vector<16xf32>
        %add3A_408 = arith.addf %add3A_400, %gather3A_407 : vector<16xf32>
        %iota3A_409 = tpu.iota {dimensions = array<i32: 0>} : vector<16xi32>
        %xor3A_410 = arith.constant 4 : i32
        %xor3A_411 = vector.broadcast %xor3A_410 : i32 to vector<16xi32>
        %xor3A_412 = arith.xori %iota3A_409, %xor3A_411 : vector<16xi32>
        %broadcast_in_dim3A_413 = vector.shape_cast %xor3A_412 : vector<16xi32> to vector<16x1xi32>
        %gather3A_414 = vector.shape_cast %broadcast_in_dim3A_413 : vector<16x1xi32> to vector<16xi32>
        %gather3A_415 = tpu.dynamic_gather %add3A_408[%gather3A_414] in [0] : vector<16xf32>, vector<16xi32> -> vector<16xf32>
        %add3A_416 = arith.addf %add3A_408, %gather3A_415 : vector<16xf32>
        %iota3A_417 = tpu.iota {dimensions = array<i32: 0>} : vector<16xi32>
        %xor3A_418 = arith.constant 8 : i32
        %xor3A_419 = vector.broadcast %xor3A_418 : i32 to vector<16xi32>
        %xor3A_420 = arith.xori %iota3A_417, %xor3A_419 : vector<16xi32>
        %broadcast_in_dim3A_421 = vector.shape_cast %xor3A_420 : vector<16xi32> to vector<16x1xi32>
        %gather3A_422 = vector.shape_cast %broadcast_in_dim3A_421 : vector<16x1xi32> to vector<16xi32>
        %gather3A_423 = tpu.dynamic_gather %add3A_416[%gather3A_422] in [0] : vector<16xf32>, vector<16xi32> -> vector<16xf32>
        %add3A_424 = arith.addf %add3A_416, %gather3A_423 : vector<16xf32>
        %mul3A_425 = arith.constant 0.00130208337 : f32
        %mul3A_426 = vector.broadcast %mul3A_425 : f32 to vector<16xf32>
        %mul3A_427 = arith.mulf %add3A_424, %mul3A_426 : vector<16xf32>
        %mul3A_428 = arith.mulf %mul3A_392, %mul3A_392 : vector<16xf32>
        %sub3A = arith.subf %mul3A_427, %mul3A_428 : vector<16xf32>
        %add3A_429 = arith.constant 1.30208329E-15 : f32
        %add3A_430 = vector.broadcast %add3A_429 : f32 to vector<16xf32>
        %add3A_431 = arith.addf %sub3A, %add3A_430 : vector<16xf32>
        %bitcast_convert_type3A = tpu.bitcast %add3A_431 : vector<16xf32> -> vector<16xi32>
        %shift_right_arithmetic3A = arith.constant 1 : i32
        %shift_right_arithmetic3A_432 = vector.broadcast %shift_right_arithmetic3A : i32 to vector<16xi32>
        %shift_right_arithmetic3A_433 = arith.shrsi %bitcast_convert_type3A, %shift_right_arithmetic3A_432 : vector<16xi32>
        %sub3A_434 = arith.constant 1597463007 : i32
        %sub3A_435 = vector.broadcast %sub3A_434 : i32 to vector<16xi32>
        %sub3A_436 = arith.subi %sub3A_435, %shift_right_arithmetic3A_433 : vector<16xi32>
        %bitcast_convert_type3A_437 = tpu.bitcast %sub3A_436 : vector<16xi32> -> vector<16xf32>
        %mul3A_438 = arith.constant 5.000000e-01 : f32
        %mul3A_439 = vector.broadcast %mul3A_438 : f32 to vector<16xf32>
        %mul3A_440 = arith.mulf %mul3A_439, %add3A_431 : vector<16xf32>
        %mul3A_441 = arith.mulf %mul3A_440, %bitcast_convert_type3A_437 : vector<16xf32>
        %mul3A_442 = arith.mulf %mul3A_441, %bitcast_convert_type3A_437 : vector<16xf32>
        %sub3A_443 = arith.constant 1.500000e+00 : f32
        %sub3A_444 = vector.broadcast %sub3A_443 : f32 to vector<16xf32>
        %sub3A_445 = arith.subf %sub3A_444, %mul3A_442 : vector<16xf32>
        %mul3A_446 = arith.mulf %bitcast_convert_type3A_437, %sub3A_445 : vector<16xf32>
        %mul3A_447 = arith.constant 5.000000e-01 : f32
        %mul3A_448 = vector.broadcast %mul3A_447 : f32 to vector<16xf32>
        %mul3A_449 = arith.mulf %mul3A_448, %add3A_431 : vector<16xf32>
        %mul3A_450 = arith.mulf %mul3A_449, %mul3A_446 : vector<16xf32>
        %mul3A_451 = arith.mulf %mul3A_450, %mul3A_446 : vector<16xf32>
        %sub3A_452 = arith.constant 1.500000e+00 : f32
        %sub3A_453 = vector.broadcast %sub3A_452 : f32 to vector<16xf32>
        %sub3A_454 = arith.subf %sub3A_453, %mul3A_451 : vector<16xf32>
        %mul3A_455 = arith.mulf %mul3A_446, %sub3A_454 : vector<16xf32>
        %mul3A_456 = arith.constant 5.000000e-01 : f32
        %mul3A_457 = vector.broadcast %mul3A_456 : f32 to vector<16xf32>
        %mul3A_458 = arith.mulf %mul3A_457, %add3A_431 : vector<16xf32>
        %mul3A_459 = arith.mulf %mul3A_458, %mul3A_455 : vector<16xf32>
        %mul3A_460 = arith.mulf %mul3A_459, %mul3A_455 : vector<16xf32>
        %sub3A_461 = arith.constant 1.500000e+00 : f32
        %sub3A_462 = vector.broadcast %sub3A_461 : f32 to vector<16xf32>
        %sub3A_463 = arith.subf %sub3A_462, %mul3A_460 : vector<16xf32>
        %mul3A_464 = arith.mulf %mul3A_455, %sub3A_463 : vector<16xf32>
        %get3A_465 = arith.index_cast %scan3A_22 : i32 to index
        %get3A_466 = arith.constant 0 : index
        %get3A_467 = tpu.vector_load %arg8[%get3A_465, %get3A_466] {strides = array<i32>} : memref<128x768xf32, #tpu.memory_space<vmem>>, vector<1x16xf32>,
        %get3A_468 = vector.shape_cast %get3A_467 : vector<1x16xf32> to vector<16xf32>
        %sub3A_469 = arith.subf %get3A_468, %mul3A_392 : vector<16xf32>
        %mul3A_470 = arith.mulf %sub3A_469, %mul3A_464 : vector<16xf32>
        %get3A_471 = arith.constant 0 : index
        %get3A_472 = tpu.vector_load %arg9[%get3A_471] {strides = array<i32>} : memref<768xf32, #tpu.memory_space<vmem>>, vector<16xf32>,
        %get3A_473 = vector.shape_cast %get3A_472 : vector<16xf32> to vector<16xf32>
        %mul3A_474 = arith.mulf %mul3A_470, %get3A_473 : vector<16xf32>
        %get3A_475 = arith.constant 0 : index
        %get3A_476 = tpu.vector_load %arg10[%get3A_475] {strides = array<i32>} : memref<768xf32, #tpu.memory_space<vmem>>, vector<16xf32>,
        %get3A_477 = vector.shape_cast %get3A_476 : vector<16xf32> to vector<16xf32>
        %add3A_478 = arith.addf %mul3A_474, %get3A_477 : vector<16xf32>
        %swap3A = arith.index_cast %scan3A_22 : i32 to index
        %swap3A_479 = arith.constant 0 : index
        %swap3A_480 = tpu.vector_load %arg8[%swap3A, %swap3A_479] {strides = array<i32>} : memref<128x768xf32, #tpu.memory_space<vmem>>, vector<1x16xf32>,
        %swap3A_481 = vector.shape_cast %swap3A_480 : vector<1x16xf32> to vector<16xf32>
        %swap3A_482 = vector.shape_cast %add3A_478 : vector<16xf32> to vector<1x16xf32>
        tpu.vector_store %arg8[%swap3A, %swap3A_479], %swap3A_482 {strides = array<i32>} : memref<128x768xf32, #tpu.memory_space<vmem>>, vector<1x16xf32>,
        %get3A_483 = arith.index_cast %scan3A_22 : i32 to index
        %get3A_484 = arith.constant 16 : index
        %get3A_485 = tpu.vector_load %arg8[%get3A_483, %get3A_484] {strides = array<i32>} : memref<128x768xf32, #tpu.memory_space<vmem>>, vector<1x16xf32>,
        %get3A_486 = vector.shape_cast %get3A_485 : vector<1x16xf32> to vector<16xf32>
        %sub3A_487 = arith.subf %get3A_486, %mul3A_392 : vector<16xf32>
        %mul3A_488 = arith.mulf %sub3A_487, %mul3A_464 : vector<16xf32>
        %get3A_489 = arith.constant 16 : index
        %get3A_490 = tpu.vector_load %arg9[%get3A_489] {strides = array<i32>} : memref<768xf32, #tpu.memory_space<vmem>>, vector<16xf32>,
        %get3A_491 = vector.shape_cast %get3A_490 : vector<16xf32> to vector<16xf32>
        %mul3A_492 = arith.mulf %mul3A_488, %get3A_491 : vector<16xf32>
        %get3A_493 = arith.constant 16 : index
        %get3A_494 = tpu.vector_load %arg10[%get3A_493] {strides = array<i32>} : memref<768xf32, #tpu.memory_space<vmem>>, vector<16xf32>,
        %get3A_495 = vector.shape_cast %get3A_494 : vector<16xf32> to vector<16xf32>
        %add3A_496 = arith.addf %mul3A_492, %get3A_495 : vector<16xf32>
        %swap3A_497 = arith.index_cast %scan3A_22 : i32 to index
        %swap3A_498 = arith.constant 16 : index
        %swap3A_499 = tpu.vector_load %arg8[%swap3A_497, %swap3A_498] {strides = array<i32>} : memref<128x768xf32, #tpu.memory_space<vmem>>, vector<1x16xf32>,
        %swap3A_500 = vector.shape_cast %swap3A_499 : vector<1x16xf32> to vector<16xf32>
        %swap3A_501 = vector.shape_cast %add3A_496 : vector<16xf32> to vector<1x16xf32>
        tpu.vector_store %arg8[%swap3A_497, %swap3A_498], %swap3A_501 {strides = array<i32>} : memref<128x768xf32, #tpu.memory_space<vmem>>, vector<1x16xf32>,
        %get3A_502 = arith.index_cast %scan3A_22 : i32 to index
        %get3A_503 = arith.constant 32 : index
        %get3A_504 = tpu.vector_load %arg8[%get3A_502, %get3A_503] {strides = array<i32>} : memref<128x768xf32, #tpu.memory_space<vmem>>, vector<1x16xf32>,
        %get3A_505 = vector.shape_cast %get3A_504 : vector<1x16xf32> to vector<16xf32>
        %sub3A_506 = arith.subf %get3A_505, %mul3A_392 : vector<16xf32>
        %mul3A_507 = arith.mulf %sub3A_506, %mul3A_464 : vector<16xf32>
        %get3A_508 = arith.constant 32 : index
        %get3A_509 = tpu.vector_load %arg9[%get3A_508] {strides = array<i32>} : memref<768xf32, #tpu.memory_space<vmem>>, vector<16xf32>,
        %get3A_510 = vector.shape_cast %get3A_509 : vector<16xf32> to vector<16xf32>
        %mul3A_511 = arith.mulf %mul3A_507, %get3A_510 : vector<16xf32>
        %get3A_512 = arith.constant 32 : index
        %get3A_513 = tpu.vector_load %arg10[%get3A_512] {strides = array<i32>} : memref<768xf32, #tpu.memory_space<vmem>>, vector<16xf32>,
        %get3A_514 = vector.shape_cast %get3A_513 : vector<16xf32> to vector<16xf32>
        %add3A_515 = arith.addf %mul3A_511, %get3A_514 : vector<16xf32>
        %swap3A_516 = arith.index_cast %scan3A_22 : i32 to index
        %swap3A_517 = arith.constant 32 : index
        %swap3A_518 = tpu.vector_load %arg8[%swap3A_516, %swap3A_517] {strides = array<i32>} : memref<128x768xf32, #tpu.memory_space<vmem>>, vector<1x16xf32>,
        %swap3A_519 = vector.shape_cast %swap3A_518 : vector<1x16xf32> to vector<16xf32>
        %swap3A_520 = vector.shape_cast %add3A_515 : vector<16xf32> to vector<1x16xf32>
        tpu.vector_store %arg8[%swap3A_516, %swap3A_517], %swap3A_520 {strides = array<i32>} : memref<128x768xf32, #tpu.memory_space<vmem>>, vector<1x16xf32>,
        %get3A_521 = arith.index_cast %scan3A_22 : i32 to index
        %get3A_522 = arith.constant 48 : index
        %get3A_523 = tpu.vector_load %arg8[%get3A_521, %get3A_522] {strides = array<i32>} : memref<128x768xf32, #tpu.memory_space<vmem>>, vector<1x16xf32>,
        %get3A_524 = vector.shape_cast %get3A_523 : vector<1x16xf32> to vector<16xf32>
        %sub3A_525 = arith.subf %get3A_524, %mul3A_392 : vector<16xf32>
        %mul3A_526 = arith.mulf %sub3A_525, %mul3A_464 : vector<16xf32>
        %get3A_527 = arith.constant 48 : index
        %get3A_528 = tpu.vector_load %arg9[%get3A_527] {strides = array<i32>} : memref<768xf32, #tpu.memory_space<vmem>>, vector<16xf32>,
        %get3A_529 = vector.shape_cast %get3A_528 : vector<16xf32> to vector<16xf32>
        %mul3A_530 = arith.mulf %mul3A_526, %get3A_529 : vector<16xf32>
        %get3A_531 = arith.constant 48 : index
        %get3A_532 = tpu.vector_load %arg10[%get3A_531] {strides = array<i32>} : memref<768xf32, #tpu.memory_space<vmem>>, vector<16xf32>,
        %get3A_533 = vector.shape_cast %get3A_532 : vector<16xf32> to vector<16xf32>
        %add3A_534 = arith.addf %mul3A_530, %get3A_533 : vector<16xf32>
        %swap3A_535 = arith.index_cast %scan3A_22 : i32 to index
        %swap3A_536 = arith.constant 48 : index
        %swap3A_537 = tpu.vector_load %arg8[%swap3A_535, %swap3A_536] {strides = array<i32>} : memref<128x768xf32, #tpu.memory_space<vmem>>, vector<1x16xf32>,
        %swap3A_538 = vector.shape_cast %swap3A_537 : vector<1x16xf32> to vector<16xf32>
        %swap3A_539 = vector.shape_cast %add3A_534 : vector<16xf32> to vector<1x16xf32>
        tpu.vector_store %arg8[%swap3A_535, %swap3A_536], %swap3A_539 {strides = array<i32>} : memref<128x768xf32, #tpu.memory_space<vmem>>, vector<1x16xf32>,
        %get3A_540 = arith.index_cast %scan3A_22 : i32 to index
        %get3A_541 = arith.constant 64 : index
        %get3A_542 = tpu.vector_load %arg8[%get3A_540, %get3A_541] {strides = array<i32>} : memref<128x768xf32, #tpu.memory_space<vmem>>, vector<1x16xf32>,
        %get3A_543 = vector.shape_cast %get3A_542 : vector<1x16xf32> to vector<16xf32>
        %sub3A_544 = arith.subf %get3A_543, %mul3A_392 : vector<16xf32>
        %mul3A_545 = arith.mulf %sub3A_544, %mul3A_464 : vector<16xf32>
        %get3A_546 = arith.constant 64 : index
        %get3A_547 = tpu.vector_load %arg9[%get3A_546] {strides = array<i32>} : memref<768xf32, #tpu.memory_space<vmem>>, vector<16xf32>,
        %get3A_548 = vector.shape_cast %get3A_547 : vector<16xf32> to vector<16xf32>
        %mul3A_549 = arith.mulf %mul3A_545, %get3A_548 : vector<16xf32>
        %get3A_550 = arith.constant 64 : index
        %get3A_551 = tpu.vector_load %arg10[%get3A_550] {strides = array<i32>} : memref<768xf32, #tpu.memory_space<vmem>>, vector<16xf32>,
        %get3A_552 = vector.shape_cast %get3A_551 : vector<16xf32> to vector<16xf32>
        %add3A_553 = arith.addf %mul3A_549, %get3A_552 : vector<16xf32>
        %swap3A_554 = arith.index_cast %scan3A_22 : i32 to index
        %swap3A_555 = arith.constant 64 : index
        %swap3A_556 = tpu.vector_load %arg8[%swap3A_554, %swap3A_555] {strides = array<i32>} : memref<128x768xf32, #tpu.memory_space<vmem>>, vector<1x16xf32>,
        %swap3A_557 = vector.shape_cast %swap3A_556 : vector<1x16xf32> to vector<16xf32>
        %swap3A_558 = vector.shape_cast %add3A_553 : vector<16xf32> to vector<1x16xf32>
        tpu.vector_store %arg8[%swap3A_554, %swap3A_555], %swap3A_558 {strides = array<i32>} : memref<128x768xf32, #tpu.memory_space<vmem>>, vector<1x16xf32>,
        %get3A_559 = arith.index_cast %scan3A_22 : i32 to index
        %get3A_560 = arith.constant 80 : index
        %get3A_561 = tpu.vector_load %arg8[%get3A_559, %get3A_560] {strides = array<i32>} : memref<128x768xf32, #tpu.memory_space<vmem>>, vector<1x16xf32>,
        %get3A_562 = vector.shape_cast %get3A_561 : vector<1x16xf32> to vector<16xf32>
        %sub3A_563 = arith.subf %get3A_562, %mul3A_392 : vector<16xf32>
        %mul3A_564 = arith.mulf %sub3A_563, %mul3A_464 : vector<16xf32>
        %get3A_565 = arith.constant 80 : index
        %get3A_566 = tpu.vector_load %arg9[%get3A_565] {strides = array<i32>} : memref<768xf32, #tpu.memory_space<vmem>>, vector<16xf32>,
        %get3A_567 = vector.shape_cast %get3A_566 : vector<16xf32> to vector<16xf32>
        %mul3A_568 = arith.mulf %mul3A_564, %get3A_567 : vector<16xf32>
        %get3A_569 = arith.constant 80 : index
        %get3A_570 = tpu.vector_load %arg10[%get3A_569] {strides = array<i32>} : memref<768xf32, #tpu.memory_space<vmem>>, vector<16xf32>,
        %get3A_571 = vector.shape_cast %get3A_570 : vector<16xf32> to vector<16xf32>
        %add3A_572 = arith.addf %mul3A_568, %get3A_571 : vector<16xf32>
        %swap3A_573 = arith.index_cast %scan3A_22 : i32 to index
        %swap3A_574 = arith.constant 80 : index
        %swap3A_575 = tpu.vector_load %arg8[%swap3A_573, %swap3A_574] {strides = array<i32>} : memref<128x768xf32, #tpu.memory_space<vmem>>, vector<1x16xf32>,
        %swap3A_576 = vector.shape_cast %swap3A_575 : vector<1x16xf32> to vector<16xf32>
        %swap3A_577 = vector.shape_cast %add3A_572 : vector<16xf32> to vector<1x16xf32>
        tpu.vector_store %arg8[%swap3A_573, %swap3A_574], %swap3A_577 {strides = array<i32>} : memref<128x768xf32, #tpu.memory_space<vmem>>, vector<1x16xf32>,
        %get3A_578 = arith.index_cast %scan3A_22 : i32 to index
        %get3A_579 = arith.constant 96 : index
        %get3A_580 = tpu.vector_load %arg8[%get3A_578, %get3A_579] {strides = array<i32>} : memref<128x768xf32, #tpu.memory_space<vmem>>, vector<1x16xf32>,
        %get3A_581 = vector.shape_cast %get3A_580 : vector<1x16xf32> to vector<16xf32>
        %sub3A_582 = arith.subf %get3A_581, %mul3A_392 : vector<16xf32>
        %mul3A_583 = arith.mulf %sub3A_582, %mul3A_464 : vector<16xf32>
        %get3A_584 = arith.constant 96 : index
        %get3A_585 = tpu.vector_load %arg9[%get3A_584] {strides = array<i32>} : memref<768xf32, #tpu.memory_space<vmem>>, vector<16xf32>,
        %get3A_586 = vector.shape_cast %get3A_585 : vector<16xf32> to vector<16xf32>
        %mul3A_587 = arith.mulf %mul3A_583, %get3A_586 : vector<16xf32>
        %get3A_588 = arith.constant 96 : index
        %get3A_589 = tpu.vector_load %arg10[%get3A_588] {strides = array<i32>} : memref<768xf32, #tpu.memory_space<vmem>>, vector<16xf32>,
        %get3A_590 = vector.shape_cast %get3A_589 : vector<16xf32> to vector<16xf32>
        %add3A_591 = arith.addf %mul3A_587, %get3A_590 : vector<16xf32>
        %swap3A_592 = arith.index_cast %scan3A_22 : i32 to index
        %swap3A_593 = arith.constant 96 : index
        %swap3A_594 = tpu.vector_load %arg8[%swap3A_592, %swap3A_593] {strides = array<i32>} : memref<128x768xf32, #tpu.memory_space<vmem>>, vector<1x16xf32>,
        %swap3A_595 = vector.shape_cast %swap3A_594 : vector<1x16xf32> to vector<16xf32>
        %swap3A_596 = vector.shape_cast %add3A_591 : vector<16xf32> to vector<1x16xf32>
        tpu.vector_store %arg8[%swap3A_592, %swap3A_593], %swap3A_596 {strides = array<i32>} : memref<128x768xf32, #tpu.memory_space<vmem>>, vector<1x16xf32>,
        %get3A_597 = arith.index_cast %scan3A_22 : i32 to index
        %get3A_598 = arith.constant 112 : index
        %get3A_599 = tpu.vector_load %arg8[%get3A_597, %get3A_598] {strides = array<i32>} : memref<128x768xf32, #tpu.memory_space<vmem>>, vector<1x16xf32>,
        %get3A_600 = vector.shape_cast %get3A_599 : vector<1x16xf32> to vector<16xf32>
        %sub3A_601 = arith.subf %get3A_600, %mul3A_392 : vector<16xf32>
        %mul3A_602 = arith.mulf %sub3A_601, %mul3A_464 : vector<16xf32>
        %get3A_603 = arith.constant 112 : index
        %get3A_604 = tpu.vector_load %arg9[%get3A_603] {strides = array<i32>} : memref<768xf32, #tpu.memory_space<vmem>>, vector<16xf32>,
        %get3A_605 = vector.shape_cast %get3A_604 : vector<16xf32> to vector<16xf32>
        %mul3A_606 = arith.mulf %mul3A_602, %get3A_605 : vector<16xf32>
        %get3A_607 = arith.constant 112 : index
        %get3A_608 = tpu.vector_load %arg10[%get3A_607] {strides = array<i32>} : memref<768xf32, #tpu.memory_space<vmem>>, vector<16xf32>,
        %get3A_609 = vector.shape_cast %get3A_608 : vector<16xf32> to vector<16xf32>
        %add3A_610 = arith.addf %mul3A_606, %get3A_609 : vector<16xf32>
        %swap3A_611 = arith.index_cast %scan3A_22 : i32 to index
        %swap3A_612 = arith.constant 112 : index
        %swap3A_613 = tpu.vector_load %arg8[%swap3A_611, %swap3A_612] {strides = array<i32>} : memref<128x768xf32, #tpu.memory_space<vmem>>, vector<1x16xf32>,
        %swap3A_614 = vector.shape_cast %swap3A_613 : vector<1x16xf32> to vector<16xf32>
        %swap3A_615 = vector.shape_cast %add3A_610 : vector<16xf32> to vector<1x16xf32>
        tpu.vector_store %arg8[%swap3A_611, %swap3A_612], %swap3A_615 {strides = array<i32>} : memref<128x768xf32, #tpu.memory_space<vmem>>, vector<1x16xf32>,
        %get3A_616 = arith.index_cast %scan3A_22 : i32 to index
        %get3A_617 = arith.constant 128 : index
        %get3A_618 = tpu.vector_load %arg8[%get3A_616, %get3A_617] {strides = array<i32>} : memref<128x768xf32, #tpu.memory_space<vmem>>, vector<1x16xf32>,
        %get3A_619 = vector.shape_cast %get3A_618 : vector<1x16xf32> to vector<16xf32>
        %sub3A_620 = arith.subf %get3A_619, %mul3A_392 : vector<16xf32>
        %mul3A_621 = arith.mulf %sub3A_620, %mul3A_464 : vector<16xf32>
        %get3A_622 = arith.constant 128 : index
        %get3A_623 = tpu.vector_load %arg9[%get3A_622] {strides = array<i32>} : memref<768xf32, #tpu.memory_space<vmem>>, vector<16xf32>,
        %get3A_624 = vector.shape_cast %get3A_623 : vector<16xf32> to vector<16xf32>
        %mul3A_625 = arith.mulf %mul3A_621, %get3A_624 : vector<16xf32>
        %get3A_626 = arith.constant 128 : index
        %get3A_627 = tpu.vector_load %arg10[%get3A_626] {strides = array<i32>} : memref<768xf32, #tpu.memory_space<vmem>>, vector<16xf32>,
        %get3A_628 = vector.shape_cast %get3A_627 : vector<16xf32> to vector<16xf32>
        %add3A_629 = arith.addf %mul3A_625, %get3A_628 : vector<16xf32>
        %swap3A_630 = arith.index_cast %scan3A_22 : i32 to index
        %swap3A_631 = arith.constant 128 : index
        %swap3A_632 = tpu.vector_load %arg8[%swap3A_630, %swap3A_631] {strides = array<i32>} : memref<128x768xf32, #tpu.memory_space<vmem>>, vector<1x16xf32>,
        %swap3A_633 = vector.shape_cast %swap3A_632 : vector<1x16xf32> to vector<16xf32>
        %swap3A_634 = vector.shape_cast %add3A_629 : vector<16xf32> to vector<1x16xf32>
        tpu.vector_store %arg8[%swap3A_630, %swap3A_631], %swap3A_634 {strides = array<i32>} : memref<128x768xf32, #tpu.memory_space<vmem>>, vector<1x16xf32>,
        %get3A_635 = arith.index_cast %scan3A_22 : i32 to index
        %get3A_636 = arith.constant 144 : index
        %get3A_637 = tpu.vector_load %arg8[%get3A_635, %get3A_636] {strides = array<i32>} : memref<128x768xf32, #tpu.memory_space<vmem>>, vector<1x16xf32>,
        %get3A_638 = vector.shape_cast %get3A_637 : vector<1x16xf32> to vector<16xf32>
        %sub3A_639 = arith.subf %get3A_638, %mul3A_392 : vector<16xf32>
        %mul3A_640 = arith.mulf %sub3A_639, %mul3A_464 : vector<16xf32>
        %get3A_641 = arith.constant 144 : index
        %get3A_642 = tpu.vector_load %arg9[%get3A_641] {strides = array<i32>} : memref<768xf32, #tpu.memory_space<vmem>>, vector<16xf32>,
        %get3A_643 = vector.shape_cast %get3A_642 : vector<16xf32> to vector<16xf32>
        %mul3A_644 = arith.mulf %mul3A_640, %get3A_643 : vector<16xf32>
        %get3A_645 = arith.constant 144 : index
        %get3A_646 = tpu.vector_load %arg10[%get3A_645] {strides = array<i32>} : memref<768xf32, #tpu.memory_space<vmem>>, vector<16xf32>,
        %get3A_647 = vector.shape_cast %get3A_646 : vector<16xf32> to vector<16xf32>
        %add3A_648 = arith.addf %mul3A_644, %get3A_647 : vector<16xf32>
        %swap3A_649 = arith.index_cast %scan3A_22 : i32 to index
        %swap3A_650 = arith.constant 144 : index
        %swap3A_651 = tpu.vector_load %arg8[%swap3A_649, %swap3A_650] {strides = array<i32>} : memref<128x768xf32, #tpu.memory_space<vmem>>, vector<1x16xf32>,
        %swap3A_652 = vector.shape_cast %swap3A_651 : vector<1x16xf32> to vector<16xf32>
        %swap3A_653 = vector.shape_cast %add3A_648 : vector<16xf32> to vector<1x16xf32>
        tpu.vector_store %arg8[%swap3A_649, %swap3A_650], %swap3A_653 {strides = array<i32>} : memref<128x768xf32, #tpu.memory_space<vmem>>, vector<1x16xf32>,
        %get3A_654 = arith.index_cast %scan3A_22 : i32 to index
        %get3A_655 = arith.constant 160 : index
        %get3A_656 = tpu.vector_load %arg8[%get3A_654, %get3A_655] {strides = array<i32>} : memref<128x768xf32, #tpu.memory_space<vmem>>, vector<1x16xf32>,
        %get3A_657 = vector.shape_cast %get3A_656 : vector<1x16xf32> to vector<16xf32>
        %sub3A_658 = arith.subf %get3A_657, %mul3A_392 : vector<16xf32>
        %mul3A_659 = arith.mulf %sub3A_658, %mul3A_464 : vector<16xf32>
        %get3A_660 = arith.constant 160 : index
        %get3A_661 = tpu.vector_load %arg9[%get3A_660] {strides = array<i32>} : memref<768xf32, #tpu.memory_space<vmem>>, vector<16xf32>,
        %get3A_662 = vector.shape_cast %get3A_661 : vector<16xf32> to vector<16xf32>
        %mul3A_663 = arith.mulf %mul3A_659, %get3A_662 : vector<16xf32>
        %get3A_664 = arith.constant 160 : index
        %get3A_665 = tpu.vector_load %arg10[%get3A_664] {strides = array<i32>} : memref<768xf32, #tpu.memory_space<vmem>>, vector<16xf32>,
        %get3A_666 = vector.shape_cast %get3A_665 : vector<16xf32> to vector<16xf32>
        %add3A_667 = arith.addf %mul3A_663, %get3A_666 : vector<16xf32>
        %swap3A_668 = arith.index_cast %scan3A_22 : i32 to index
        %swap3A_669 = arith.constant 160 : index
        %swap3A_670 = tpu.vector_load %arg8[%swap3A_668, %swap3A_669] {strides = array<i32>} : memref<128x768xf32, #tpu.memory_space<vmem>>, vector<1x16xf32>,
        %swap3A_671 = vector.shape_cast %swap3A_670 : vector<1x16xf32> to vector<16xf32>
        %swap3A_672 = vector.shape_cast %add3A_667 : vector<16xf32> to vector<1x16xf32>
        tpu.vector_store %arg8[%swap3A_668, %swap3A_669], %swap3A_672 {strides = array<i32>} : memref<128x768xf32, #tpu.memory_space<vmem>>, vector<1x16xf32>,
        %get3A_673 = arith.index_cast %scan3A_22 : i32 to index
        %get3A_674 = arith.constant 176 : index
        %get3A_675 = tpu.vector_load %arg8[%get3A_673, %get3A_674] {strides = array<i32>} : memref<128x768xf32, #tpu.memory_space<vmem>>, vector<1x16xf32>,
        %get3A_676 = vector.shape_cast %get3A_675 : vector<1x16xf32> to vector<16xf32>
        %sub3A_677 = arith.subf %get3A_676, %mul3A_392 : vector<16xf32>
        %mul3A_678 = arith.mulf %sub3A_677, %mul3A_464 : vector<16xf32>
        %get3A_679 = arith.constant 176 : index
        %get3A_680 = tpu.vector_load %arg9[%get3A_679] {strides = array<i32>} : memref<768xf32, #tpu.memory_space<vmem>>, vector<16xf32>,
        %get3A_681 = vector.shape_cast %get3A_680 : vector<16xf32> to vector<16xf32>
        %mul3A_682 = arith.mulf %mul3A_678, %get3A_681 : vector<16xf32>
        %get3A_683 = arith.constant 176 : index
        %get3A_684 = tpu.vector_load %arg10[%get3A_683] {strides = array<i32>} : memref<768xf32, #tpu.memory_space<vmem>>, vector<16xf32>,
        %get3A_685 = vector.shape_cast %get3A_684 : vector<16xf32> to vector<16xf32>
        %add3A_686 = arith.addf %mul3A_682, %get3A_685 : vector<16xf32>
        %swap3A_687 = arith.index_cast %scan3A_22 : i32 to index
        %swap3A_688 = arith.constant 176 : index
        %swap3A_689 = tpu.vector_load %arg8[%swap3A_687, %swap3A_688] {strides = array<i32>} : memref<128x768xf32, #tpu.memory_space<vmem>>, vector<1x16xf32>,
        %swap3A_690 = vector.shape_cast %swap3A_689 : vector<1x16xf32> to vector<16xf32>
        %swap3A_691 = vector.shape_cast %add3A_686 : vector<16xf32> to vector<1x16xf32>
        tpu.vector_store %arg8[%swap3A_687, %swap3A_688], %swap3A_691 {strides = array<i32>} : memref<128x768xf32, #tpu.memory_space<vmem>>, vector<1x16xf32>,
        %get3A_692 = arith.index_cast %scan3A_22 : i32 to index
        %get3A_693 = arith.constant 192 : index
        %get3A_694 = tpu.vector_load %arg8[%get3A_692, %get3A_693] {strides = array<i32>} : memref<128x768xf32, #tpu.memory_space<vmem>>, vector<1x16xf32>,
        %get3A_695 = vector.shape_cast %get3A_694 : vector<1x16xf32> to vector<16xf32>
        %sub3A_696 = arith.subf %get3A_695, %mul3A_392 : vector<16xf32>
        %mul3A_697 = arith.mulf %sub3A_696, %mul3A_464 : vector<16xf32>
        %get3A_698 = arith.constant 192 : index
        %get3A_699 = tpu.vector_load %arg9[%get3A_698] {strides = array<i32>} : memref<768xf32, #tpu.memory_space<vmem>>, vector<16xf32>,
        %get3A_700 = vector.shape_cast %get3A_699 : vector<16xf32> to vector<16xf32>
        %mul3A_701 = arith.mulf %mul3A_697, %get3A_700 : vector<16xf32>
        %get3A_702 = arith.constant 192 : index
        %get3A_703 = tpu.vector_load %arg10[%get3A_702] {strides = array<i32>} : memref<768xf32, #tpu.memory_space<vmem>>, vector<16xf32>,
        %get3A_704 = vector.shape_cast %get3A_703 : vector<16xf32> to vector<16xf32>
        %add3A_705 = arith.addf %mul3A_701, %get3A_704 : vector<16xf32>
        %swap3A_706 = arith.index_cast %scan3A_22 : i32 to index
        %swap3A_707 = arith.constant 192 : index
        %swap3A_708 = tpu.vector_load %arg8[%swap3A_706, %swap3A_707] {strides = array<i32>} : memref<128x768xf32, #tpu.memory_space<vmem>>, vector<1x16xf32>,
        %swap3A_709 = vector.shape_cast %swap3A_708 : vector<1x16xf32> to vector<16xf32>
        %swap3A_710 = vector.shape_cast %add3A_705 : vector<16xf32> to vector<1x16xf32>
        tpu.vector_store %arg8[%swap3A_706, %swap3A_707], %swap3A_710 {strides = array<i32>} : memref<128x768xf32, #tpu.memory_space<vmem>>, vector<1x16xf32>,
        %get3A_711 = arith.index_cast %scan3A_22 : i32 to index
        %get3A_712 = arith.constant 208 : index
        %get3A_713 = tpu.vector_load %arg8[%get3A_711, %get3A_712] {strides = array<i32>} : memref<128x768xf32, #tpu.memory_space<vmem>>, vector<1x16xf32>,
        %get3A_714 = vector.shape_cast %get3A_713 : vector<1x16xf32> to vector<16xf32>
        %sub3A_715 = arith.subf %get3A_714, %mul3A_392 : vector<16xf32>
        %mul3A_716 = arith.mulf %sub3A_715, %mul3A_464 : vector<16xf32>
        %get3A_717 = arith.constant 208 : index
        %get3A_718 = tpu.vector_load %arg9[%get3A_717] {strides = array<i32>} : memref<768xf32, #tpu.memory_space<vmem>>, vector<16xf32>,
        %get3A_719 = vector.shape_cast %get3A_718 : vector<16xf32> to vector<16xf32>
        %mul3A_720 = arith.mulf %mul3A_716, %get3A_719 : vector<16xf32>
        %get3A_721 = arith.constant 208 : index
        %get3A_722 = tpu.vector_load %arg10[%get3A_721] {strides = array<i32>} : memref<768xf32, #tpu.memory_space<vmem>>, vector<16xf32>,
        %get3A_723 = vector.shape_cast %get3A_722 : vector<16xf32> to vector<16xf32>
        %add3A_724 = arith.addf %mul3A_720, %get3A_723 : vector<16xf32>
        %swap3A_725 = arith.index_cast %scan3A_22 : i32 to index
        %swap3A_726 = arith.constant 208 : index
        %swap3A_727 = tpu.vector_load %arg8[%swap3A_725, %swap3A_726] {strides = array<i32>} : memref<128x768xf32, #tpu.memory_space<vmem>>, vector<1x16xf32>,
        %swap3A_728 = vector.shape_cast %swap3A_727 : vector<1x16xf32> to vector<16xf32>
        %swap3A_729 = vector.shape_cast %add3A_724 : vector<16xf32> to vector<1x16xf32>
        tpu.vector_store %arg8[%swap3A_725, %swap3A_726], %swap3A_729 {strides = array<i32>} : memref<128x768xf32, #tpu.memory_space<vmem>>, vector<1x16xf32>,
        %get3A_730 = arith.index_cast %scan3A_22 : i32 to index
        %get3A_731 = arith.constant 224 : index
        %get3A_732 = tpu.vector_load %arg8[%get3A_730, %get3A_731] {strides = array<i32>} : memref<128x768xf32, #tpu.memory_space<vmem>>, vector<1x16xf32>,
        %get3A_733 = vector.shape_cast %get3A_732 : vector<1x16xf32> to vector<16xf32>
        %sub3A_734 = arith.subf %get3A_733, %mul3A_392 : vector<16xf32>
        %mul3A_735 = arith.mulf %sub3A_734, %mul3A_464 : vector<16xf32>
        %get3A_736 = arith.constant 224 : index
        %get3A_737 = tpu.vector_load %arg9[%get3A_736] {strides = array<i32>} : memref<768xf32, #tpu.memory_space<vmem>>, vector<16xf32>,
        %get3A_738 = vector.shape_cast %get3A_737 : vector<16xf32> to vector<16xf32>
        %mul3A_739 = arith.mulf %mul3A_735, %get3A_738 : vector<16xf32>
        %get3A_740 = arith.constant 224 : index
        %get3A_741 = tpu.vector_load %arg10[%get3A_740] {strides = array<i32>} : memref<768xf32, #tpu.memory_space<vmem>>, vector<16xf32>,
        %get3A_742 = vector.shape_cast %get3A_741 : vector<16xf32> to vector<16xf32>
        %add3A_743 = arith.addf %mul3A_739, %get3A_742 : vector<16xf32>
        %swap3A_744 = arith.index_cast %scan3A_22 : i32 to index
        %swap3A_745 = arith.constant 224 : index
        %swap3A_746 = tpu.vector_load %arg8[%swap3A_744, %swap3A_745] {strides = array<i32>} : memref<128x768xf32, #tpu.memory_space<vmem>>, vector<1x16xf32>,
        %swap3A_747 = vector.shape_cast %swap3A_746 : vector<1x16xf32> to vector<16xf32>
        %swap3A_748 = vector.shape_cast %add3A_743 : vector<16xf32> to vector<1x16xf32>
        tpu.vector_store %arg8[%swap3A_744, %swap3A_745], %swap3A_748 {strides = array<i32>} : memref<128x768xf32, #tpu.memory_space<vmem>>, vector<1x16xf32>,
        %get3A_749 = arith.index_cast %scan3A_22 : i32 to index
        %get3A_750 = arith.constant 240 : index
        %get3A_751 = tpu.vector_load %arg8[%get3A_749, %get3A_750] {strides = array<i32>} : memref<128x768xf32, #tpu.memory_space<vmem>>, vector<1x16xf32>,
        %get3A_752 = vector.shape_cast %get3A_751 : vector<1x16xf32> to vector<16xf32>
        %sub3A_753 = arith.subf %get3A_752, %mul3A_392 : vector<16xf32>
        %mul3A_754 = arith.mulf %sub3A_753, %mul3A_464 : vector<16xf32>
        %get3A_755 = arith.constant 240 : index
        %get3A_756 = tpu.vector_load %arg9[%get3A_755] {strides = array<i32>} : memref<768xf32, #tpu.memory_space<vmem>>, vector<16xf32>,
        %get3A_757 = vector.shape_cast %get3A_756 : vector<16xf32> to vector<16xf32>
        %mul3A_758 = arith.mulf %mul3A_754, %get3A_757 : vector<16xf32>
        %get3A_759 = arith.constant 240 : index
        %get3A_760 = tpu.vector_load %arg10[%get3A_759] {strides = array<i32>} : memref<768xf32, #tpu.memory_space<vmem>>, vector<16xf32>,
        %get3A_761 = vector.shape_cast %get3A_760 : vector<16xf32> to vector<16xf32>
        %add3A_762 = arith.addf %mul3A_758, %get3A_761 : vector<16xf32>
        %swap3A_763 = arith.index_cast %scan3A_22 : i32 to index
        %swap3A_764 = arith.constant 240 : index
        %swap3A_765 = tpu.vector_load %arg8[%swap3A_763, %swap3A_764] {strides = array<i32>} : memref<128x768xf32, #tpu.memory_space<vmem>>, vector<1x16xf32>,
        %swap3A_766 = vector.shape_cast %swap3A_765 : vector<1x16xf32> to vector<16xf32>
        %swap3A_767 = vector.shape_cast %add3A_762 : vector<16xf32> to vector<1x16xf32>
        tpu.vector_store %arg8[%swap3A_763, %swap3A_764], %swap3A_767 {strides = array<i32>} : memref<128x768xf32, #tpu.memory_space<vmem>>, vector<1x16xf32>,
        %get3A_768 = arith.index_cast %scan3A_22 : i32 to index
        %get3A_769 = arith.constant 256 : index
        %get3A_770 = tpu.vector_load %arg8[%get3A_768, %get3A_769] {strides = array<i32>} : memref<128x768xf32, #tpu.memory_space<vmem>>, vector<1x16xf32>,
        %get3A_771 = vector.shape_cast %get3A_770 : vector<1x16xf32> to vector<16xf32>
        %sub3A_772 = arith.subf %get3A_771, %mul3A_392 : vector<16xf32>
        %mul3A_773 = arith.mulf %sub3A_772, %mul3A_464 : vector<16xf32>
        %get3A_774 = arith.constant 256 : index
        %get3A_775 = tpu.vector_load %arg9[%get3A_774] {strides = array<i32>} : memref<768xf32, #tpu.memory_space<vmem>>, vector<16xf32>,
        %get3A_776 = vector.shape_cast %get3A_775 : vector<16xf32> to vector<16xf32>
        %mul3A_777 = arith.mulf %mul3A_773, %get3A_776 : vector<16xf32>
        %get3A_778 = arith.constant 256 : index
        %get3A_779 = tpu.vector_load %arg10[%get3A_778] {strides = array<i32>} : memref<768xf32, #tpu.memory_space<vmem>>, vector<16xf32>,
        %get3A_780 = vector.shape_cast %get3A_779 : vector<16xf32> to vector<16xf32>
        %add3A_781 = arith.addf %mul3A_777, %get3A_780 : vector<16xf32>
        %swap3A_782 = arith.index_cast %scan3A_22 : i32 to index
        %swap3A_783 = arith.constant 256 : index
        %swap3A_784 = tpu.vector_load %arg8[%swap3A_782, %swap3A_783] {strides = array<i32>} : memref<128x768xf32, #tpu.memory_space<vmem>>, vector<1x16xf32>,
        %swap3A_785 = vector.shape_cast %swap3A_784 : vector<1x16xf32> to vector<16xf32>
        %swap3A_786 = vector.shape_cast %add3A_781 : vector<16xf32> to vector<1x16xf32>
        tpu.vector_store %arg8[%swap3A_782, %swap3A_783], %swap3A_786 {strides = array<i32>} : memref<128x768xf32, #tpu.memory_space<vmem>>, vector<1x16xf32>,
        %get3A_787 = arith.index_cast %scan3A_22 : i32 to index
        %get3A_788 = arith.constant 272 : index
        %get3A_789 = tpu.vector_load %arg8[%get3A_787, %get3A_788] {strides = array<i32>} : memref<128x768xf32, #tpu.memory_space<vmem>>, vector<1x16xf32>,
        %get3A_790 = vector.shape_cast %get3A_789 : vector<1x16xf32> to vector<16xf32>
        %sub3A_791 = arith.subf %get3A_790, %mul3A_392 : vector<16xf32>
        %mul3A_792 = arith.mulf %sub3A_791, %mul3A_464 : vector<16xf32>
        %get3A_793 = arith.constant 272 : index
        %get3A_794 = tpu.vector_load %arg9[%get3A_793] {strides = array<i32>} : memref<768xf32, #tpu.memory_space<vmem>>, vector<16xf32>,
        %get3A_795 = vector.shape_cast %get3A_794 : vector<16xf32> to vector<16xf32>
        %mul3A_796 = arith.mulf %mul3A_792, %get3A_795 : vector<16xf32>
        %get3A_797 = arith.constant 272 : index
        %get3A_798 = tpu.vector_load %arg10[%get3A_797] {strides = array<i32>} : memref<768xf32, #tpu.memory_space<vmem>>, vector<16xf32>,
        %get3A_799 = vector.shape_cast %get3A_798 : vector<16xf32> to vector<16xf32>
        %add3A_800 = arith.addf %mul3A_796, %get3A_799 : vector<16xf32>
        %swap3A_801 = arith.index_cast %scan3A_22 : i32 to index
        %swap3A_802 = arith.constant 272 : index
        %swap3A_803 = tpu.vector_load %arg8[%swap3A_801, %swap3A_802] {strides = array<i32>} : memref<128x768xf32, #tpu.memory_space<vmem>>, vector<1x16xf32>,
        %swap3A_804 = vector.shape_cast %swap3A_803 : vector<1x16xf32> to vector<16xf32>
        %swap3A_805 = vector.shape_cast %add3A_800 : vector<16xf32> to vector<1x16xf32>
        tpu.vector_store %arg8[%swap3A_801, %swap3A_802], %swap3A_805 {strides = array<i32>} : memref<128x768xf32, #tpu.memory_space<vmem>>, vector<1x16xf32>,
        %get3A_806 = arith.index_cast %scan3A_22 : i32 to index
        %get3A_807 = arith.constant 288 : index
        %get3A_808 = tpu.vector_load %arg8[%get3A_806, %get3A_807] {strides = array<i32>} : memref<128x768xf32, #tpu.memory_space<vmem>>, vector<1x16xf32>,
        %get3A_809 = vector.shape_cast %get3A_808 : vector<1x16xf32> to vector<16xf32>
        %sub3A_810 = arith.subf %get3A_809, %mul3A_392 : vector<16xf32>
        %mul3A_811 = arith.mulf %sub3A_810, %mul3A_464 : vector<16xf32>
        %get3A_812 = arith.constant 288 : index
        %get3A_813 = tpu.vector_load %arg9[%get3A_812] {strides = array<i32>} : memref<768xf32, #tpu.memory_space<vmem>>, vector<16xf32>,
        %get3A_814 = vector.shape_cast %get3A_813 : vector<16xf32> to vector<16xf32>
        %mul3A_815 = arith.mulf %mul3A_811, %get3A_814 : vector<16xf32>
        %get3A_816 = arith.constant 288 : index
        %get3A_817 = tpu.vector_load %arg10[%get3A_816] {strides = array<i32>} : memref<768xf32, #tpu.memory_space<vmem>>, vector<16xf32>,
        %get3A_818 = vector.shape_cast %get3A_817 : vector<16xf32> to vector<16xf32>
        %add3A_819 = arith.addf %mul3A_815, %get3A_818 : vector<16xf32>
        %swap3A_820 = arith.index_cast %scan3A_22 : i32 to index
        %swap3A_821 = arith.constant 288 : index
        %swap3A_822 = tpu.vector_load %arg8[%swap3A_820, %swap3A_821] {strides = array<i32>} : memref<128x768xf32, #tpu.memory_space<vmem>>, vector<1x16xf32>,
        %swap3A_823 = vector.shape_cast %swap3A_822 : vector<1x16xf32> to vector<16xf32>
        %swap3A_824 = vector.shape_cast %add3A_819 : vector<16xf32> to vector<1x16xf32>
        tpu.vector_store %arg8[%swap3A_820, %swap3A_821], %swap3A_824 {strides = array<i32>} : memref<128x768xf32, #tpu.memory_space<vmem>>, vector<1x16xf32>,
        %get3A_825 = arith.index_cast %scan3A_22 : i32 to index
        %get3A_826 = arith.constant 304 : index
        %get3A_827 = tpu.vector_load %arg8[%get3A_825, %get3A_826] {strides = array<i32>} : memref<128x768xf32, #tpu.memory_space<vmem>>, vector<1x16xf32>,
        %get3A_828 = vector.shape_cast %get3A_827 : vector<1x16xf32> to vector<16xf32>
        %sub3A_829 = arith.subf %get3A_828, %mul3A_392 : vector<16xf32>
        %mul3A_830 = arith.mulf %sub3A_829, %mul3A_464 : vector<16xf32>
        %get3A_831 = arith.constant 304 : index
        %get3A_832 = tpu.vector_load %arg9[%get3A_831] {strides = array<i32>} : memref<768xf32, #tpu.memory_space<vmem>>, vector<16xf32>,
        %get3A_833 = vector.shape_cast %get3A_832 : vector<16xf32> to vector<16xf32>
        %mul3A_834 = arith.mulf %mul3A_830, %get3A_833 : vector<16xf32>
        %get3A_835 = arith.constant 304 : index
        %get3A_836 = tpu.vector_load %arg10[%get3A_835] {strides = array<i32>} : memref<768xf32, #tpu.memory_space<vmem>>, vector<16xf32>,
        %get3A_837 = vector.shape_cast %get3A_836 : vector<16xf32> to vector<16xf32>
        %add3A_838 = arith.addf %mul3A_834, %get3A_837 : vector<16xf32>
        %swap3A_839 = arith.index_cast %scan3A_22 : i32 to index
        %swap3A_840 = arith.constant 304 : index
        %swap3A_841 = tpu.vector_load %arg8[%swap3A_839, %swap3A_840] {strides = array<i32>} : memref<128x768xf32, #tpu.memory_space<vmem>>, vector<1x16xf32>,
        %swap3A_842 = vector.shape_cast %swap3A_841 : vector<1x16xf32> to vector<16xf32>
        %swap3A_843 = vector.shape_cast %add3A_838 : vector<16xf32> to vector<1x16xf32>
        tpu.vector_store %arg8[%swap3A_839, %swap3A_840], %swap3A_843 {strides = array<i32>} : memref<128x768xf32, #tpu.memory_space<vmem>>, vector<1x16xf32>,
        %get3A_844 = arith.index_cast %scan3A_22 : i32 to index
        %get3A_845 = arith.constant 320 : index
        %get3A_846 = tpu.vector_load %arg8[%get3A_844, %get3A_845] {strides = array<i32>} : memref<128x768xf32, #tpu.memory_space<vmem>>, vector<1x16xf32>,
        %get3A_847 = vector.shape_cast %get3A_846 : vector<1x16xf32> to vector<16xf32>
        %sub3A_848 = arith.subf %get3A_847, %mul3A_392 : vector<16xf32>
        %mul3A_849 = arith.mulf %sub3A_848, %mul3A_464 : vector<16xf32>
        %get3A_850 = arith.constant 320 : index
        %get3A_851 = tpu.vector_load %arg9[%get3A_850] {strides = array<i32>} : memref<768xf32, #tpu.memory_space<vmem>>, vector<16xf32>,
        %get3A_852 = vector.shape_cast %get3A_851 : vector<16xf32> to vector<16xf32>
        %mul3A_853 = arith.mulf %mul3A_849, %get3A_852 : vector<16xf32>
        %get3A_854 = arith.constant 320 : index
        %get3A_855 = tpu.vector_load %arg10[%get3A_854] {strides = array<i32>} : memref<768xf32, #tpu.memory_space<vmem>>, vector<16xf32>,
        %get3A_856 = vector.shape_cast %get3A_855 : vector<16xf32> to vector<16xf32>
        %add3A_857 = arith.addf %mul3A_853, %get3A_856 : vector<16xf32>
        %swap3A_858 = arith.index_cast %scan3A_22 : i32 to index
        %swap3A_859 = arith.constant 320 : index
        %swap3A_860 = tpu.vector_load %arg8[%swap3A_858, %swap3A_859] {strides = array<i32>} : memref<128x768xf32, #tpu.memory_space<vmem>>, vector<1x16xf32>,
        %swap3A_861 = vector.shape_cast %swap3A_860 : vector<1x16xf32> to vector<16xf32>
        %swap3A_862 = vector.shape_cast %add3A_857 : vector<16xf32> to vector<1x16xf32>
        tpu.vector_store %arg8[%swap3A_858, %swap3A_859], %swap3A_862 {strides = array<i32>} : memref<128x768xf32, #tpu.memory_space<vmem>>, vector<1x16xf32>,
        %get3A_863 = arith.index_cast %scan3A_22 : i32 to index
        %get3A_864 = arith.constant 336 : index
        %get3A_865 = tpu.vector_load %arg8[%get3A_863, %get3A_864] {strides = array<i32>} : memref<128x768xf32, #tpu.memory_space<vmem>>, vector<1x16xf32>,
        %get3A_866 = vector.shape_cast %get3A_865 : vector<1x16xf32> to vector<16xf32>
        %sub3A_867 = arith.subf %get3A_866, %mul3A_392 : vector<16xf32>
        %mul3A_868 = arith.mulf %sub3A_867, %mul3A_464 : vector<16xf32>
        %get3A_869 = arith.constant 336 : index
        %get3A_870 = tpu.vector_load %arg9[%get3A_869] {strides = array<i32>} : memref<768xf32, #tpu.memory_space<vmem>>, vector<16xf32>,
        %get3A_871 = vector.shape_cast %get3A_870 : vector<16xf32> to vector<16xf32>
        %mul3A_872 = arith.mulf %mul3A_868, %get3A_871 : vector<16xf32>
        %get3A_873 = arith.constant 336 : index
        %get3A_874 = tpu.vector_load %arg10[%get3A_873] {strides = array<i32>} : memref<768xf32, #tpu.memory_space<vmem>>, vector<16xf32>,
        %get3A_875 = vector.shape_cast %get3A_874 : vector<16xf32> to vector<16xf32>
        %add3A_876 = arith.addf %mul3A_872, %get3A_875 : vector<16xf32>
        %swap3A_877 = arith.index_cast %scan3A_22 : i32 to index
        %swap3A_878 = arith.constant 336 : index
        %swap3A_879 = tpu.vector_load %arg8[%swap3A_877, %swap3A_878] {strides = array<i32>} : memref<128x768xf32, #tpu.memory_space<vmem>>, vector<1x16xf32>,
        %swap3A_880 = vector.shape_cast %swap3A_879 : vector<1x16xf32> to vector<16xf32>
        %swap3A_881 = vector.shape_cast %add3A_876 : vector<16xf32> to vector<1x16xf32>
        tpu.vector_store %arg8[%swap3A_877, %swap3A_878], %swap3A_881 {strides = array<i32>} : memref<128x768xf32, #tpu.memory_space<vmem>>, vector<1x16xf32>,
        %get3A_882 = arith.index_cast %scan3A_22 : i32 to index
        %get3A_883 = arith.constant 352 : index
        %get3A_884 = tpu.vector_load %arg8[%get3A_882, %get3A_883] {strides = array<i32>} : memref<128x768xf32, #tpu.memory_space<vmem>>, vector<1x16xf32>,
        %get3A_885 = vector.shape_cast %get3A_884 : vector<1x16xf32> to vector<16xf32>
        %sub3A_886 = arith.subf %get3A_885, %mul3A_392 : vector<16xf32>
        %mul3A_887 = arith.mulf %sub3A_886, %mul3A_464 : vector<16xf32>
        %get3A_888 = arith.constant 352 : index
        %get3A_889 = tpu.vector_load %arg9[%get3A_888] {strides = array<i32>} : memref<768xf32, #tpu.memory_space<vmem>>, vector<16xf32>,
        %get3A_890 = vector.shape_cast %get3A_889 : vector<16xf32> to vector<16xf32>
        %mul3A_891 = arith.mulf %mul3A_887, %get3A_890 : vector<16xf32>
        %get3A_892 = arith.constant 352 : index
        %get3A_893 = tpu.vector_load %arg10[%get3A_892] {strides = array<i32>} : memref<768xf32, #tpu.memory_space<vmem>>, vector<16xf32>,
        %get3A_894 = vector.shape_cast %get3A_893 : vector<16xf32> to vector<16xf32>
        %add3A_895 = arith.addf %mul3A_891, %get3A_894 : vector<16xf32>
        %swap3A_896 = arith.index_cast %scan3A_22 : i32 to index
        %swap3A_897 = arith.constant 352 : index
        %swap3A_898 = tpu.vector_load %arg8[%swap3A_896, %swap3A_897] {strides = array<i32>} : memref<128x768xf32, #tpu.memory_space<vmem>>, vector<1x16xf32>,
        %swap3A_899 = vector.shape_cast %swap3A_898 : vector<1x16xf32> to vector<16xf32>
        %swap3A_900 = vector.shape_cast %add3A_895 : vector<16xf32> to vector<1x16xf32>
        tpu.vector_store %arg8[%swap3A_896, %swap3A_897], %swap3A_900 {strides = array<i32>} : memref<128x768xf32, #tpu.memory_space<vmem>>, vector<1x16xf32>,
        %get3A_901 = arith.index_cast %scan3A_22 : i32 to index
        %get3A_902 = arith.constant 368 : index
        %get3A_903 = tpu.vector_load %arg8[%get3A_901, %get3A_902] {strides = array<i32>} : memref<128x768xf32, #tpu.memory_space<vmem>>, vector<1x16xf32>,
        %get3A_904 = vector.shape_cast %get3A_903 : vector<1x16xf32> to vector<16xf32>
        %sub3A_905 = arith.subf %get3A_904, %mul3A_392 : vector<16xf32>
        %mul3A_906 = arith.mulf %sub3A_905, %mul3A_464 : vector<16xf32>
        %get3A_907 = arith.constant 368 : index
        %get3A_908 = tpu.vector_load %arg9[%get3A_907] {strides = array<i32>} : memref<768xf32, #tpu.memory_space<vmem>>, vector<16xf32>,
        %get3A_909 = vector.shape_cast %get3A_908 : vector<16xf32> to vector<16xf32>
        %mul3A_910 = arith.mulf %mul3A_906, %get3A_909 : vector<16xf32>
        %get3A_911 = arith.constant 368 : index
        %get3A_912 = tpu.vector_load %arg10[%get3A_911] {strides = array<i32>} : memref<768xf32, #tpu.memory_space<vmem>>, vector<16xf32>,
        %get3A_913 = vector.shape_cast %get3A_912 : vector<16xf32> to vector<16xf32>
        %add3A_914 = arith.addf %mul3A_910, %get3A_913 : vector<16xf32>
        %swap3A_915 = arith.index_cast %scan3A_22 : i32 to index
        %swap3A_916 = arith.constant 368 : index
        %swap3A_917 = tpu.vector_load %arg8[%swap3A_915, %swap3A_916] {strides = array<i32>} : memref<128x768xf32, #tpu.memory_space<vmem>>, vector<1x16xf32>,
        %swap3A_918 = vector.shape_cast %swap3A_917 : vector<1x16xf32> to vector<16xf32>
        %swap3A_919 = vector.shape_cast %add3A_914 : vector<16xf32> to vector<1x16xf32>
        tpu.vector_store %arg8[%swap3A_915, %swap3A_916], %swap3A_919 {strides = array<i32>} : memref<128x768xf32, #tpu.memory_space<vmem>>, vector<1x16xf32>,
        %get3A_920 = arith.index_cast %scan3A_22 : i32 to index
        %get3A_921 = arith.constant 384 : index
        %get3A_922 = tpu.vector_load %arg8[%get3A_920, %get3A_921] {strides = array<i32>} : memref<128x768xf32, #tpu.memory_space<vmem>>, vector<1x16xf32>,
        %get3A_923 = vector.shape_cast %get3A_922 : vector<1x16xf32> to vector<16xf32>
        %sub3A_924 = arith.subf %get3A_923, %mul3A_392 : vector<16xf32>
        %mul3A_925 = arith.mulf %sub3A_924, %mul3A_464 : vector<16xf32>
        %get3A_926 = arith.constant 384 : index
        %get3A_927 = tpu.vector_load %arg9[%get3A_926] {strides = array<i32>} : memref<768xf32, #tpu.memory_space<vmem>>, vector<16xf32>,
        %get3A_928 = vector.shape_cast %get3A_927 : vector<16xf32> to vector<16xf32>
        %mul3A_929 = arith.mulf %mul3A_925, %get3A_928 : vector<16xf32>
        %get3A_930 = arith.constant 384 : index
        %get3A_931 = tpu.vector_load %arg10[%get3A_930] {strides = array<i32>} : memref<768xf32, #tpu.memory_space<vmem>>, vector<16xf32>,
        %get3A_932 = vector.shape_cast %get3A_931 : vector<16xf32> to vector<16xf32>
        %add3A_933 = arith.addf %mul3A_929, %get3A_932 : vector<16xf32>
        %swap3A_934 = arith.index_cast %scan3A_22 : i32 to index
        %swap3A_935 = arith.constant 384 : index
        %swap3A_936 = tpu.vector_load %arg8[%swap3A_934, %swap3A_935] {strides = array<i32>} : memref<128x768xf32, #tpu.memory_space<vmem>>, vector<1x16xf32>,
        %swap3A_937 = vector.shape_cast %swap3A_936 : vector<1x16xf32> to vector<16xf32>
        %swap3A_938 = vector.shape_cast %add3A_933 : vector<16xf32> to vector<1x16xf32>
        tpu.vector_store %arg8[%swap3A_934, %swap3A_935], %swap3A_938 {strides = array<i32>} : memref<128x768xf32, #tpu.memory_space<vmem>>, vector<1x16xf32>,
        %get3A_939 = arith.index_cast %scan3A_22 : i32 to index
        %get3A_940 = arith.constant 400 : index
        %get3A_941 = tpu.vector_load %arg8[%get3A_939, %get3A_940] {strides = array<i32>} : memref<128x768xf32, #tpu.memory_space<vmem>>, vector<1x16xf32>,
        %get3A_942 = vector.shape_cast %get3A_941 : vector<1x16xf32> to vector<16xf32>
        %sub3A_943 = arith.subf %get3A_942, %mul3A_392 : vector<16xf32>
        %mul3A_944 = arith.mulf %sub3A_943, %mul3A_464 : vector<16xf32>
        %get3A_945 = arith.constant 400 : index
        %get3A_946 = tpu.vector_load %arg9[%get3A_945] {strides = array<i32>} : memref<768xf32, #tpu.memory_space<vmem>>, vector<16xf32>,
        %get3A_947 = vector.shape_cast %get3A_946 : vector<16xf32> to vector<16xf32>
        %mul3A_948 = arith.mulf %mul3A_944, %get3A_947 : vector<16xf32>
        %get3A_949 = arith.constant 400 : index
        %get3A_950 = tpu.vector_load %arg10[%get3A_949] {strides = array<i32>} : memref<768xf32, #tpu.memory_space<vmem>>, vector<16xf32>,
        %get3A_951 = vector.shape_cast %get3A_950 : vector<16xf32> to vector<16xf32>
        %add3A_952 = arith.addf %mul3A_948, %get3A_951 : vector<16xf32>
        %swap3A_953 = arith.index_cast %scan3A_22 : i32 to index
        %swap3A_954 = arith.constant 400 : index
        %swap3A_955 = tpu.vector_load %arg8[%swap3A_953, %swap3A_954] {strides = array<i32>} : memref<128x768xf32, #tpu.memory_space<vmem>>, vector<1x16xf32>,
        %swap3A_956 = vector.shape_cast %swap3A_955 : vector<1x16xf32> to vector<16xf32>
        %swap3A_957 = vector.shape_cast %add3A_952 : vector<16xf32> to vector<1x16xf32>
        tpu.vector_store %arg8[%swap3A_953, %swap3A_954], %swap3A_957 {strides = array<i32>} : memref<128x768xf32, #tpu.memory_space<vmem>>, vector<1x16xf32>,
        %get3A_958 = arith.index_cast %scan3A_22 : i32 to index
        %get3A_959 = arith.constant 416 : index
        %get3A_960 = tpu.vector_load %arg8[%get3A_958, %get3A_959] {strides = array<i32>} : memref<128x768xf32, #tpu.memory_space<vmem>>, vector<1x16xf32>,
        %get3A_961 = vector.shape_cast %get3A_960 : vector<1x16xf32> to vector<16xf32>
        %sub3A_962 = arith.subf %get3A_961, %mul3A_392 : vector<16xf32>
        %mul3A_963 = arith.mulf %sub3A_962, %mul3A_464 : vector<16xf32>
        %get3A_964 = arith.constant 416 : index
        %get3A_965 = tpu.vector_load %arg9[%get3A_964] {strides = array<i32>} : memref<768xf32, #tpu.memory_space<vmem>>, vector<16xf32>,
        %get3A_966 = vector.shape_cast %get3A_965 : vector<16xf32> to vector<16xf32>
        %mul3A_967 = arith.mulf %mul3A_963, %get3A_966 : vector<16xf32>
        %get3A_968 = arith.constant 416 : index
        %get3A_969 = tpu.vector_load %arg10[%get3A_968] {strides = array<i32>} : memref<768xf32, #tpu.memory_space<vmem>>, vector<16xf32>,
        %get3A_970 = vector.shape_cast %get3A_969 : vector<16xf32> to vector<16xf32>
        %add3A_971 = arith.addf %mul3A_967, %get3A_970 : vector<16xf32>
        %swap3A_972 = arith.index_cast %scan3A_22 : i32 to index
        %swap3A_973 = arith.constant 416 : index
        %swap3A_974 = tpu.vector_load %arg8[%swap3A_972, %swap3A_973] {strides = array<i32>} : memref<128x768xf32, #tpu.memory_space<vmem>>, vector<1x16xf32>,
        %swap3A_975 = vector.shape_cast %swap3A_974 : vector<1x16xf32> to vector<16xf32>
        %swap3A_976 = vector.shape_cast %add3A_971 : vector<16xf32> to vector<1x16xf32>
        tpu.vector_store %arg8[%swap3A_972, %swap3A_973], %swap3A_976 {strides = array<i32>} : memref<128x768xf32, #tpu.memory_space<vmem>>, vector<1x16xf32>,
        %get3A_977 = arith.index_cast %scan3A_22 : i32 to index
        %get3A_978 = arith.constant 432 : index
        %get3A_979 = tpu.vector_load %arg8[%get3A_977, %get3A_978] {strides = array<i32>} : memref<128x768xf32, #tpu.memory_space<vmem>>, vector<1x16xf32>,
        %get3A_980 = vector.shape_cast %get3A_979 : vector<1x16xf32> to vector<16xf32>
        %sub3A_981 = arith.subf %get3A_980, %mul3A_392 : vector<16xf32>
        %mul3A_982 = arith.mulf %sub3A_981, %mul3A_464 : vector<16xf32>
        %get3A_983 = arith.constant 432 : index
        %get3A_984 = tpu.vector_load %arg9[%get3A_983] {strides = array<i32>} : memref<768xf32, #tpu.memory_space<vmem>>, vector<16xf32>,
        %get3A_985 = vector.shape_cast %get3A_984 : vector<16xf32> to vector<16xf32>
        %mul3A_986 = arith.mulf %mul3A_982, %get3A_985 : vector<16xf32>
        %get3A_987 = arith.constant 432 : index
        %get3A_988 = tpu.vector_load %arg10[%get3A_987] {strides = array<i32>} : memref<768xf32, #tpu.memory_space<vmem>>, vector<16xf32>,
        %get3A_989 = vector.shape_cast %get3A_988 : vector<16xf32> to vector<16xf32>
        %add3A_990 = arith.addf %mul3A_986, %get3A_989 : vector<16xf32>
        %swap3A_991 = arith.index_cast %scan3A_22 : i32 to index
        %swap3A_992 = arith.constant 432 : index
        %swap3A_993 = tpu.vector_load %arg8[%swap3A_991, %swap3A_992] {strides = array<i32>} : memref<128x768xf32, #tpu.memory_space<vmem>>, vector<1x16xf32>,
        %swap3A_994 = vector.shape_cast %swap3A_993 : vector<1x16xf32> to vector<16xf32>
        %swap3A_995 = vector.shape_cast %add3A_990 : vector<16xf32> to vector<1x16xf32>
        tpu.vector_store %arg8[%swap3A_991, %swap3A_992], %swap3A_995 {strides = array<i32>} : memref<128x768xf32, #tpu.memory_space<vmem>>, vector<1x16xf32>,
        %get3A_996 = arith.index_cast %scan3A_22 : i32 to index
        %get3A_997 = arith.constant 448 : index
        %get3A_998 = tpu.vector_load %arg8[%get3A_996, %get3A_997] {strides = array<i32>} : memref<128x768xf32, #tpu.memory_space<vmem>>, vector<1x16xf32>,
        %get3A_999 = vector.shape_cast %get3A_998 : vector<1x16xf32> to vector<16xf32>
        %sub3A_1000 = arith.subf %get3A_999, %mul3A_392 : vector<16xf32>
        %mul3A_1001 = arith.mulf %sub3A_1000, %mul3A_464 : vector<16xf32>
        %get3A_1002 = arith.constant 448 : index
        %get3A_1003 = tpu.vector_load %arg9[%get3A_1002] {strides = array<i32>} : memref<768xf32, #tpu.memory_space<vmem>>, vector<16xf32>,
        %get3A_1004 = vector.shape_cast %get3A_1003 : vector<16xf32> to vector<16xf32>
        %mul3A_1005 = arith.mulf %mul3A_1001, %get3A_1004 : vector<16xf32>
        %get3A_1006 = arith.constant 448 : index
        %get3A_1007 = tpu.vector_load %arg10[%get3A_1006] {strides = array<i32>} : memref<768xf32, #tpu.memory_space<vmem>>, vector<16xf32>,
        %get3A_1008 = vector.shape_cast %get3A_1007 : vector<16xf32> to vector<16xf32>
        %add3A_1009 = arith.addf %mul3A_1005, %get3A_1008 : vector<16xf32>
        %swap3A_1010 = arith.index_cast %scan3A_22 : i32 to index
        %swap3A_1011 = arith.constant 448 : index
        %swap3A_1012 = tpu.vector_load %arg8[%swap3A_1010, %swap3A_1011] {strides = array<i32>} : memref<128x768xf32, #tpu.memory_space<vmem>>, vector<1x16xf32>,
        %swap3A_1013 = vector.shape_cast %swap3A_1012 : vector<1x16xf32> to vector<16xf32>
        %swap3A_1014 = vector.shape_cast %add3A_1009 : vector<16xf32> to vector<1x16xf32>
        tpu.vector_store %arg8[%swap3A_1010, %swap3A_1011], %swap3A_1014 {strides = array<i32>} : memref<128x768xf32, #tpu.memory_space<vmem>>, vector<1x16xf32>,
        %get3A_1015 = arith.index_cast %scan3A_22 : i32 to index
        %get3A_1016 = arith.constant 464 : index
        %get3A_1017 = tpu.vector_load %arg8[%get3A_1015, %get3A_1016] {strides = array<i32>} : memref<128x768xf32, #tpu.memory_space<vmem>>, vector<1x16xf32>,
        %get3A_1018 = vector.shape_cast %get3A_1017 : vector<1x16xf32> to vector<16xf32>
        %sub3A_1019 = arith.subf %get3A_1018, %mul3A_392 : vector<16xf32>
        %mul3A_1020 = arith.mulf %sub3A_1019, %mul3A_464 : vector<16xf32>
        %get3A_1021 = arith.constant 464 : index
        %get3A_1022 = tpu.vector_load %arg9[%get3A_1021] {strides = array<i32>} : memref<768xf32, #tpu.memory_space<vmem>>, vector<16xf32>,
        %get3A_1023 = vector.shape_cast %get3A_1022 : vector<16xf32> to vector<16xf32>
        %mul3A_1024 = arith.mulf %mul3A_1020, %get3A_1023 : vector<16xf32>
        %get3A_1025 = arith.constant 464 : index
        %get3A_1026 = tpu.vector_load %arg10[%get3A_1025] {strides = array<i32>} : memref<768xf32, #tpu.memory_space<vmem>>, vector<16xf32>,
        %get3A_1027 = vector.shape_cast %get3A_1026 : vector<16xf32> to vector<16xf32>
        %add3A_1028 = arith.addf %mul3A_1024, %get3A_1027 : vector<16xf32>
        %swap3A_1029 = arith.index_cast %scan3A_22 : i32 to index
        %swap3A_1030 = arith.constant 464 : index
        %swap3A_1031 = tpu.vector_load %arg8[%swap3A_1029, %swap3A_1030] {strides = array<i32>} : memref<128x768xf32, #tpu.memory_space<vmem>>, vector<1x16xf32>,
        %swap3A_1032 = vector.shape_cast %swap3A_1031 : vector<1x16xf32> to vector<16xf32>
        %swap3A_1033 = vector.shape_cast %add3A_1028 : vector<16xf32> to vector<1x16xf32>
        tpu.vector_store %arg8[%swap3A_1029, %swap3A_1030], %swap3A_1033 {strides = array<i32>} : memref<128x768xf32, #tpu.memory_space<vmem>>, vector<1x16xf32>,
        %get3A_1034 = arith.index_cast %scan3A_22 : i32 to index
        %get3A_1035 = arith.constant 480 : index
        %get3A_1036 = tpu.vector_load %arg8[%get3A_1034, %get3A_1035] {strides = array<i32>} : memref<128x768xf32, #tpu.memory_space<vmem>>, vector<1x16xf32>,
        %get3A_1037 = vector.shape_cast %get3A_1036 : vector<1x16xf32> to vector<16xf32>
        %sub3A_1038 = arith.subf %get3A_1037, %mul3A_392 : vector<16xf32>
        %mul3A_1039 = arith.mulf %sub3A_1038, %mul3A_464 : vector<16xf32>
        %get3A_1040 = arith.constant 480 : index
        %get3A_1041 = tpu.vector_load %arg9[%get3A_1040] {strides = array<i32>} : memref<768xf32, #tpu.memory_space<vmem>>, vector<16xf32>,
        %get3A_1042 = vector.shape_cast %get3A_1041 : vector<16xf32> to vector<16xf32>
        %mul3A_1043 = arith.mulf %mul3A_1039, %get3A_1042 : vector<16xf32>
        %get3A_1044 = arith.constant 480 : index
        %get3A_1045 = tpu.vector_load %arg10[%get3A_1044] {strides = array<i32>} : memref<768xf32, #tpu.memory_space<vmem>>, vector<16xf32>,
        %get3A_1046 = vector.shape_cast %get3A_1045 : vector<16xf32> to vector<16xf32>
        %add3A_1047 = arith.addf %mul3A_1043, %get3A_1046 : vector<16xf32>
        %swap3A_1048 = arith.index_cast %scan3A_22 : i32 to index
        %swap3A_1049 = arith.constant 480 : index
        %swap3A_1050 = tpu.vector_load %arg8[%swap3A_1048, %swap3A_1049] {strides = array<i32>} : memref<128x768xf32, #tpu.memory_space<vmem>>, vector<1x16xf32>,
        %swap3A_1051 = vector.shape_cast %swap3A_1050 : vector<1x16xf32> to vector<16xf32>
        %swap3A_1052 = vector.shape_cast %add3A_1047 : vector<16xf32> to vector<1x16xf32>
        tpu.vector_store %arg8[%swap3A_1048, %swap3A_1049], %swap3A_1052 {strides = array<i32>} : memref<128x768xf32, #tpu.memory_space<vmem>>, vector<1x16xf32>,
        %get3A_1053 = arith.index_cast %scan3A_22 : i32 to index
        %get3A_1054 = arith.constant 496 : index
        %get3A_1055 = tpu.vector_load %arg8[%get3A_1053, %get3A_1054] {strides = array<i32>} : memref<128x768xf32, #tpu.memory_space<vmem>>, vector<1x16xf32>,
        %get3A_1056 = vector.shape_cast %get3A_1055 : vector<1x16xf32> to vector<16xf32>
        %sub3A_1057 = arith.subf %get3A_1056, %mul3A_392 : vector<16xf32>
        %mul3A_1058 = arith.mulf %sub3A_1057, %mul3A_464 : vector<16xf32>
        %get3A_1059 = arith.constant 496 : index
        %get3A_1060 = tpu.vector_load %arg9[%get3A_1059] {strides = array<i32>} : memref<768xf32, #tpu.memory_space<vmem>>, vector<16xf32>,
        %get3A_1061 = vector.shape_cast %get3A_1060 : vector<16xf32> to vector<16xf32>
        %mul3A_1062 = arith.mulf %mul3A_1058, %get3A_1061 : vector<16xf32>
        %get3A_1063 = arith.constant 496 : index
        %get3A_1064 = tpu.vector_load %arg10[%get3A_1063] {strides = array<i32>} : memref<768xf32, #tpu.memory_space<vmem>>, vector<16xf32>,
        %get3A_1065 = vector.shape_cast %get3A_1064 : vector<16xf32> to vector<16xf32>
        %add3A_1066 = arith.addf %mul3A_1062, %get3A_1065 : vector<16xf32>
        %swap3A_1067 = arith.index_cast %scan3A_22 : i32 to index
        %swap3A_1068 = arith.constant 496 : index
        %swap3A_1069 = tpu.vector_load %arg8[%swap3A_1067, %swap3A_1068] {strides = array<i32>} : memref<128x768xf32, #tpu.memory_space<vmem>>, vector<1x16xf32>,
        %swap3A_1070 = vector.shape_cast %swap3A_1069 : vector<1x16xf32> to vector<16xf32>
        %swap3A_1071 = vector.shape_cast %add3A_1066 : vector<16xf32> to vector<1x16xf32>
        tpu.vector_store %arg8[%swap3A_1067, %swap3A_1068], %swap3A_1071 {strides = array<i32>} : memref<128x768xf32, #tpu.memory_space<vmem>>, vector<1x16xf32>,
        %get3A_1072 = arith.index_cast %scan3A_22 : i32 to index
        %get3A_1073 = arith.constant 512 : index
        %get3A_1074 = tpu.vector_load %arg8[%get3A_1072, %get3A_1073] {strides = array<i32>} : memref<128x768xf32, #tpu.memory_space<vmem>>, vector<1x16xf32>,
        %get3A_1075 = vector.shape_cast %get3A_1074 : vector<1x16xf32> to vector<16xf32>
        %sub3A_1076 = arith.subf %get3A_1075, %mul3A_392 : vector<16xf32>
        %mul3A_1077 = arith.mulf %sub3A_1076, %mul3A_464 : vector<16xf32>
        %get3A_1078 = arith.constant 512 : index
        %get3A_1079 = tpu.vector_load %arg9[%get3A_1078] {strides = array<i32>} : memref<768xf32, #tpu.memory_space<vmem>>, vector<16xf32>,
        %get3A_1080 = vector.shape_cast %get3A_1079 : vector<16xf32> to vector<16xf32>
        %mul3A_1081 = arith.mulf %mul3A_1077, %get3A_1080 : vector<16xf32>
        %get3A_1082 = arith.constant 512 : index
        %get3A_1083 = tpu.vector_load %arg10[%get3A_1082] {strides = array<i32>} : memref<768xf32, #tpu.memory_space<vmem>>, vector<16xf32>,
        %get3A_1084 = vector.shape_cast %get3A_1083 : vector<16xf32> to vector<16xf32>
        %add3A_1085 = arith.addf %mul3A_1081, %get3A_1084 : vector<16xf32>
        %swap3A_1086 = arith.index_cast %scan3A_22 : i32 to index
        %swap3A_1087 = arith.constant 512 : index
        %swap3A_1088 = tpu.vector_load %arg8[%swap3A_1086, %swap3A_1087] {strides = array<i32>} : memref<128x768xf32, #tpu.memory_space<vmem>>, vector<1x16xf32>,
        %swap3A_1089 = vector.shape_cast %swap3A_1088 : vector<1x16xf32> to vector<16xf32>
        %swap3A_1090 = vector.shape_cast %add3A_1085 : vector<16xf32> to vector<1x16xf32>
        tpu.vector_store %arg8[%swap3A_1086, %swap3A_1087], %swap3A_1090 {strides = array<i32>} : memref<128x768xf32, #tpu.memory_space<vmem>>, vector<1x16xf32>,
        %get3A_1091 = arith.index_cast %scan3A_22 : i32 to index
        %get3A_1092 = arith.constant 528 : index
        %get3A_1093 = tpu.vector_load %arg8[%get3A_1091, %get3A_1092] {strides = array<i32>} : memref<128x768xf32, #tpu.memory_space<vmem>>, vector<1x16xf32>,
        %get3A_1094 = vector.shape_cast %get3A_1093 : vector<1x16xf32> to vector<16xf32>
        %sub3A_1095 = arith.subf %get3A_1094, %mul3A_392 : vector<16xf32>
        %mul3A_1096 = arith.mulf %sub3A_1095, %mul3A_464 : vector<16xf32>
        %get3A_1097 = arith.constant 528 : index
        %get3A_1098 = tpu.vector_load %arg9[%get3A_1097] {strides = array<i32>} : memref<768xf32, #tpu.memory_space<vmem>>, vector<16xf32>,
        %get3A_1099 = vector.shape_cast %get3A_1098 : vector<16xf32> to vector<16xf32>
        %mul3A_1100 = arith.mulf %mul3A_1096, %get3A_1099 : vector<16xf32>
        %get3A_1101 = arith.constant 528 : index
        %get3A_1102 = tpu.vector_load %arg10[%get3A_1101] {strides = array<i32>} : memref<768xf32, #tpu.memory_space<vmem>>, vector<16xf32>,
        %get3A_1103 = vector.shape_cast %get3A_1102 : vector<16xf32> to vector<16xf32>
        %add3A_1104 = arith.addf %mul3A_1100, %get3A_1103 : vector<16xf32>
        %swap3A_1105 = arith.index_cast %scan3A_22 : i32 to index
        %swap3A_1106 = arith.constant 528 : index
        %swap3A_1107 = tpu.vector_load %arg8[%swap3A_1105, %swap3A_1106] {strides = array<i32>} : memref<128x768xf32, #tpu.memory_space<vmem>>, vector<1x16xf32>,
        %swap3A_1108 = vector.shape_cast %swap3A_1107 : vector<1x16xf32> to vector<16xf32>
        %swap3A_1109 = vector.shape_cast %add3A_1104 : vector<16xf32> to vector<1x16xf32>
        tpu.vector_store %arg8[%swap3A_1105, %swap3A_1106], %swap3A_1109 {strides = array<i32>} : memref<128x768xf32, #tpu.memory_space<vmem>>, vector<1x16xf32>,
        %get3A_1110 = arith.index_cast %scan3A_22 : i32 to index
        %get3A_1111 = arith.constant 544 : index
        %get3A_1112 = tpu.vector_load %arg8[%get3A_1110, %get3A_1111] {strides = array<i32>} : memref<128x768xf32, #tpu.memory_space<vmem>>, vector<1x16xf32>,
        %get3A_1113 = vector.shape_cast %get3A_1112 : vector<1x16xf32> to vector<16xf32>
        %sub3A_1114 = arith.subf %get3A_1113, %mul3A_392 : vector<16xf32>
        %mul3A_1115 = arith.mulf %sub3A_1114, %mul3A_464 : vector<16xf32>
        %get3A_1116 = arith.constant 544 : index
        %get3A_1117 = tpu.vector_load %arg9[%get3A_1116] {strides = array<i32>} : memref<768xf32, #tpu.memory_space<vmem>>, vector<16xf32>,
        %get3A_1118 = vector.shape_cast %get3A_1117 : vector<16xf32> to vector<16xf32>
        %mul3A_1119 = arith.mulf %mul3A_1115, %get3A_1118 : vector<16xf32>
        %get3A_1120 = arith.constant 544 : index
        %get3A_1121 = tpu.vector_load %arg10[%get3A_1120] {strides = array<i32>} : memref<768xf32, #tpu.memory_space<vmem>>, vector<16xf32>,
        %get3A_1122 = vector.shape_cast %get3A_1121 : vector<16xf32> to vector<16xf32>
        %add3A_1123 = arith.addf %mul3A_1119, %get3A_1122 : vector<16xf32>
        %swap3A_1124 = arith.index_cast %scan3A_22 : i32 to index
        %swap3A_1125 = arith.constant 544 : index
        %swap3A_1126 = tpu.vector_load %arg8[%swap3A_1124, %swap3A_1125] {strides = array<i32>} : memref<128x768xf32, #tpu.memory_space<vmem>>, vector<1x16xf32>,
        %swap3A_1127 = vector.shape_cast %swap3A_1126 : vector<1x16xf32> to vector<16xf32>
        %swap3A_1128 = vector.shape_cast %add3A_1123 : vector<16xf32> to vector<1x16xf32>
        tpu.vector_store %arg8[%swap3A_1124, %swap3A_1125], %swap3A_1128 {strides = array<i32>} : memref<128x768xf32, #tpu.memory_space<vmem>>, vector<1x16xf32>,
        %get3A_1129 = arith.index_cast %scan3A_22 : i32 to index
        %get3A_1130 = arith.constant 560 : index
        %get3A_1131 = tpu.vector_load %arg8[%get3A_1129, %get3A_1130] {strides = array<i32>} : memref<128x768xf32, #tpu.memory_space<vmem>>, vector<1x16xf32>,
        %get3A_1132 = vector.shape_cast %get3A_1131 : vector<1x16xf32> to vector<16xf32>
        %sub3A_1133 = arith.subf %get3A_1132, %mul3A_392 : vector<16xf32>
        %mul3A_1134 = arith.mulf %sub3A_1133, %mul3A_464 : vector<16xf32>
        %get3A_1135 = arith.constant 560 : index
        %get3A_1136 = tpu.vector_load %arg9[%get3A_1135] {strides = array<i32>} : memref<768xf32, #tpu.memory_space<vmem>>, vector<16xf32>,
        %get3A_1137 = vector.shape_cast %get3A_1136 : vector<16xf32> to vector<16xf32>
        %mul3A_1138 = arith.mulf %mul3A_1134, %get3A_1137 : vector<16xf32>
        %get3A_1139 = arith.constant 560 : index
        %get3A_1140 = tpu.vector_load %arg10[%get3A_1139] {strides = array<i32>} : memref<768xf32, #tpu.memory_space<vmem>>, vector<16xf32>,
        %get3A_1141 = vector.shape_cast %get3A_1140 : vector<16xf32> to vector<16xf32>
        %add3A_1142 = arith.addf %mul3A_1138, %get3A_1141 : vector<16xf32>
        %swap3A_1143 = arith.index_cast %scan3A_22 : i32 to index
        %swap3A_1144 = arith.constant 560 : index
        %swap3A_1145 = tpu.vector_load %arg8[%swap3A_1143, %swap3A_1144] {strides = array<i32>} : memref<128x768xf32, #tpu.memory_space<vmem>>, vector<1x16xf32>,
        %swap3A_1146 = vector.shape_cast %swap3A_1145 : vector<1x16xf32> to vector<16xf32>
        %swap3A_1147 = vector.shape_cast %add3A_1142 : vector<16xf32> to vector<1x16xf32>
        tpu.vector_store %arg8[%swap3A_1143, %swap3A_1144], %swap3A_1147 {strides = array<i32>} : memref<128x768xf32, #tpu.memory_space<vmem>>, vector<1x16xf32>,
        %get3A_1148 = arith.index_cast %scan3A_22 : i32 to index
        %get3A_1149 = arith.constant 576 : index
        %get3A_1150 = tpu.vector_load %arg8[%get3A_1148, %get3A_1149] {strides = array<i32>} : memref<128x768xf32, #tpu.memory_space<vmem>>, vector<1x16xf32>,
        %get3A_1151 = vector.shape_cast %get3A_1150 : vector<1x16xf32> to vector<16xf32>
        %sub3A_1152 = arith.subf %get3A_1151, %mul3A_392 : vector<16xf32>
        %mul3A_1153 = arith.mulf %sub3A_1152, %mul3A_464 : vector<16xf32>
        %get3A_1154 = arith.constant 576 : index
        %get3A_1155 = tpu.vector_load %arg9[%get3A_1154] {strides = array<i32>} : memref<768xf32, #tpu.memory_space<vmem>>, vector<16xf32>,
        %get3A_1156 = vector.shape_cast %get3A_1155 : vector<16xf32> to vector<16xf32>
        %mul3A_1157 = arith.mulf %mul3A_1153, %get3A_1156 : vector<16xf32>
        %get3A_1158 = arith.constant 576 : index
        %get3A_1159 = tpu.vector_load %arg10[%get3A_1158] {strides = array<i32>} : memref<768xf32, #tpu.memory_space<vmem>>, vector<16xf32>,
        %get3A_1160 = vector.shape_cast %get3A_1159 : vector<16xf32> to vector<16xf32>
        %add3A_1161 = arith.addf %mul3A_1157, %get3A_1160 : vector<16xf32>
        %swap3A_1162 = arith.index_cast %scan3A_22 : i32 to index
        %swap3A_1163 = arith.constant 576 : index
        %swap3A_1164 = tpu.vector_load %arg8[%swap3A_1162, %swap3A_1163] {strides = array<i32>} : memref<128x768xf32, #tpu.memory_space<vmem>>, vector<1x16xf32>,
        %swap3A_1165 = vector.shape_cast %swap3A_1164 : vector<1x16xf32> to vector<16xf32>
        %swap3A_1166 = vector.shape_cast %add3A_1161 : vector<16xf32> to vector<1x16xf32>
        tpu.vector_store %arg8[%swap3A_1162, %swap3A_1163], %swap3A_1166 {strides = array<i32>} : memref<128x768xf32, #tpu.memory_space<vmem>>, vector<1x16xf32>,
        %get3A_1167 = arith.index_cast %scan3A_22 : i32 to index
        %get3A_1168 = arith.constant 592 : index
        %get3A_1169 = tpu.vector_load %arg8[%get3A_1167, %get3A_1168] {strides = array<i32>} : memref<128x768xf32, #tpu.memory_space<vmem>>, vector<1x16xf32>,
        %get3A_1170 = vector.shape_cast %get3A_1169 : vector<1x16xf32> to vector<16xf32>
        %sub3A_1171 = arith.subf %get3A_1170, %mul3A_392 : vector<16xf32>
        %mul3A_1172 = arith.mulf %sub3A_1171, %mul3A_464 : vector<16xf32>
        %get3A_1173 = arith.constant 592 : index
        %get3A_1174 = tpu.vector_load %arg9[%get3A_1173] {strides = array<i32>} : memref<768xf32, #tpu.memory_space<vmem>>, vector<16xf32>,
        %get3A_1175 = vector.shape_cast %get3A_1174 : vector<16xf32> to vector<16xf32>
        %mul3A_1176 = arith.mulf %mul3A_1172, %get3A_1175 : vector<16xf32>
        %get3A_1177 = arith.constant 592 : index
        %get3A_1178 = tpu.vector_load %arg10[%get3A_1177] {strides = array<i32>} : memref<768xf32, #tpu.memory_space<vmem>>, vector<16xf32>,
        %get3A_1179 = vector.shape_cast %get3A_1178 : vector<16xf32> to vector<16xf32>
        %add3A_1180 = arith.addf %mul3A_1176, %get3A_1179 : vector<16xf32>
        %swap3A_1181 = arith.index_cast %scan3A_22 : i32 to index
        %swap3A_1182 = arith.constant 592 : index
        %swap3A_1183 = tpu.vector_load %arg8[%swap3A_1181, %swap3A_1182] {strides = array<i32>} : memref<128x768xf32, #tpu.memory_space<vmem>>, vector<1x16xf32>,
        %swap3A_1184 = vector.shape_cast %swap3A_1183 : vector<1x16xf32> to vector<16xf32>
        %swap3A_1185 = vector.shape_cast %add3A_1180 : vector<16xf32> to vector<1x16xf32>
        tpu.vector_store %arg8[%swap3A_1181, %swap3A_1182], %swap3A_1185 {strides = array<i32>} : memref<128x768xf32, #tpu.memory_space<vmem>>, vector<1x16xf32>,
        %get3A_1186 = arith.index_cast %scan3A_22 : i32 to index
        %get3A_1187 = arith.constant 608 : index
        %get3A_1188 = tpu.vector_load %arg8[%get3A_1186, %get3A_1187] {strides = array<i32>} : memref<128x768xf32, #tpu.memory_space<vmem>>, vector<1x16xf32>,
        %get3A_1189 = vector.shape_cast %get3A_1188 : vector<1x16xf32> to vector<16xf32>
        %sub3A_1190 = arith.subf %get3A_1189, %mul3A_392 : vector<16xf32>
        %mul3A_1191 = arith.mulf %sub3A_1190, %mul3A_464 : vector<16xf32>
        %get3A_1192 = arith.constant 608 : index
        %get3A_1193 = tpu.vector_load %arg9[%get3A_1192] {strides = array<i32>} : memref<768xf32, #tpu.memory_space<vmem>>, vector<16xf32>,
        %get3A_1194 = vector.shape_cast %get3A_1193 : vector<16xf32> to vector<16xf32>
        %mul3A_1195 = arith.mulf %mul3A_1191, %get3A_1194 : vector<16xf32>
        %get3A_1196 = arith.constant 608 : index
        %get3A_1197 = tpu.vector_load %arg10[%get3A_1196] {strides = array<i32>} : memref<768xf32, #tpu.memory_space<vmem>>, vector<16xf32>,
        %get3A_1198 = vector.shape_cast %get3A_1197 : vector<16xf32> to vector<16xf32>
        %add3A_1199 = arith.addf %mul3A_1195, %get3A_1198 : vector<16xf32>
        %swap3A_1200 = arith.index_cast %scan3A_22 : i32 to index
        %swap3A_1201 = arith.constant 608 : index
        %swap3A_1202 = tpu.vector_load %arg8[%swap3A_1200, %swap3A_1201] {strides = array<i32>} : memref<128x768xf32, #tpu.memory_space<vmem>>, vector<1x16xf32>,
        %swap3A_1203 = vector.shape_cast %swap3A_1202 : vector<1x16xf32> to vector<16xf32>
        %swap3A_1204 = vector.shape_cast %add3A_1199 : vector<16xf32> to vector<1x16xf32>
        tpu.vector_store %arg8[%swap3A_1200, %swap3A_1201], %swap3A_1204 {strides = array<i32>} : memref<128x768xf32, #tpu.memory_space<vmem>>, vector<1x16xf32>,
        %get3A_1205 = arith.index_cast %scan3A_22 : i32 to index
        %get3A_1206 = arith.constant 624 : index
        %get3A_1207 = tpu.vector_load %arg8[%get3A_1205, %get3A_1206] {strides = array<i32>} : memref<128x768xf32, #tpu.memory_space<vmem>>, vector<1x16xf32>,
        %get3A_1208 = vector.shape_cast %get3A_1207 : vector<1x16xf32> to vector<16xf32>
        %sub3A_1209 = arith.subf %get3A_1208, %mul3A_392 : vector<16xf32>
        %mul3A_1210 = arith.mulf %sub3A_1209, %mul3A_464 : vector<16xf32>
        %get3A_1211 = arith.constant 624 : index
        %get3A_1212 = tpu.vector_load %arg9[%get3A_1211] {strides = array<i32>} : memref<768xf32, #tpu.memory_space<vmem>>, vector<16xf32>,
        %get3A_1213 = vector.shape_cast %get3A_1212 : vector<16xf32> to vector<16xf32>
        %mul3A_1214 = arith.mulf %mul3A_1210, %get3A_1213 : vector<16xf32>
        %get3A_1215 = arith.constant 624 : index
        %get3A_1216 = tpu.vector_load %arg10[%get3A_1215] {strides = array<i32>} : memref<768xf32, #tpu.memory_space<vmem>>, vector<16xf32>,
        %get3A_1217 = vector.shape_cast %get3A_1216 : vector<16xf32> to vector<16xf32>
        %add3A_1218 = arith.addf %mul3A_1214, %get3A_1217 : vector<16xf32>
        %swap3A_1219 = arith.index_cast %scan3A_22 : i32 to index
        %swap3A_1220 = arith.constant 624 : index
        %swap3A_1221 = tpu.vector_load %arg8[%swap3A_1219, %swap3A_1220] {strides = array<i32>} : memref<128x768xf32, #tpu.memory_space<vmem>>, vector<1x16xf32>,
        %swap3A_1222 = vector.shape_cast %swap3A_1221 : vector<1x16xf32> to vector<16xf32>
        %swap3A_1223 = vector.shape_cast %add3A_1218 : vector<16xf32> to vector<1x16xf32>
        tpu.vector_store %arg8[%swap3A_1219, %swap3A_1220], %swap3A_1223 {strides = array<i32>} : memref<128x768xf32, #tpu.memory_space<vmem>>, vector<1x16xf32>,
        %get3A_1224 = arith.index_cast %scan3A_22 : i32 to index
        %get3A_1225 = arith.constant 640 : index
        %get3A_1226 = tpu.vector_load %arg8[%get3A_1224, %get3A_1225] {strides = array<i32>} : memref<128x768xf32, #tpu.memory_space<vmem>>, vector<1x16xf32>,
        %get3A_1227 = vector.shape_cast %get3A_1226 : vector<1x16xf32> to vector<16xf32>
        %sub3A_1228 = arith.subf %get3A_1227, %mul3A_392 : vector<16xf32>
        %mul3A_1229 = arith.mulf %sub3A_1228, %mul3A_464 : vector<16xf32>
        %get3A_1230 = arith.constant 640 : index
        %get3A_1231 = tpu.vector_load %arg9[%get3A_1230] {strides = array<i32>} : memref<768xf32, #tpu.memory_space<vmem>>, vector<16xf32>,
        %get3A_1232 = vector.shape_cast %get3A_1231 : vector<16xf32> to vector<16xf32>
        %mul3A_1233 = arith.mulf %mul3A_1229, %get3A_1232 : vector<16xf32>
        %get3A_1234 = arith.constant 640 : index
        %get3A_1235 = tpu.vector_load %arg10[%get3A_1234] {strides = array<i32>} : memref<768xf32, #tpu.memory_space<vmem>>, vector<16xf32>,
        %get3A_1236 = vector.shape_cast %get3A_1235 : vector<16xf32> to vector<16xf32>
        %add3A_1237 = arith.addf %mul3A_1233, %get3A_1236 : vector<16xf32>
        %swap3A_1238 = arith.index_cast %scan3A_22 : i32 to index
        %swap3A_1239 = arith.constant 640 : index
        %swap3A_1240 = tpu.vector_load %arg8[%swap3A_1238, %swap3A_1239] {strides = array<i32>} : memref<128x768xf32, #tpu.memory_space<vmem>>, vector<1x16xf32>,
        %swap3A_1241 = vector.shape_cast %swap3A_1240 : vector<1x16xf32> to vector<16xf32>
        %swap3A_1242 = vector.shape_cast %add3A_1237 : vector<16xf32> to vector<1x16xf32>
        tpu.vector_store %arg8[%swap3A_1238, %swap3A_1239], %swap3A_1242 {strides = array<i32>} : memref<128x768xf32, #tpu.memory_space<vmem>>, vector<1x16xf32>,
        %get3A_1243 = arith.index_cast %scan3A_22 : i32 to index
        %get3A_1244 = arith.constant 656 : index
        %get3A_1245 = tpu.vector_load %arg8[%get3A_1243, %get3A_1244] {strides = array<i32>} : memref<128x768xf32, #tpu.memory_space<vmem>>, vector<1x16xf32>,
        %get3A_1246 = vector.shape_cast %get3A_1245 : vector<1x16xf32> to vector<16xf32>
        %sub3A_1247 = arith.subf %get3A_1246, %mul3A_392 : vector<16xf32>
        %mul3A_1248 = arith.mulf %sub3A_1247, %mul3A_464 : vector<16xf32>
        %get3A_1249 = arith.constant 656 : index
        %get3A_1250 = tpu.vector_load %arg9[%get3A_1249] {strides = array<i32>} : memref<768xf32, #tpu.memory_space<vmem>>, vector<16xf32>,
        %get3A_1251 = vector.shape_cast %get3A_1250 : vector<16xf32> to vector<16xf32>
        %mul3A_1252 = arith.mulf %mul3A_1248, %get3A_1251 : vector<16xf32>
        %get3A_1253 = arith.constant 656 : index
        %get3A_1254 = tpu.vector_load %arg10[%get3A_1253] {strides = array<i32>} : memref<768xf32, #tpu.memory_space<vmem>>, vector<16xf32>,
        %get3A_1255 = vector.shape_cast %get3A_1254 : vector<16xf32> to vector<16xf32>
        %add3A_1256 = arith.addf %mul3A_1252, %get3A_1255 : vector<16xf32>
        %swap3A_1257 = arith.index_cast %scan3A_22 : i32 to index
        %swap3A_1258 = arith.constant 656 : index
        %swap3A_1259 = tpu.vector_load %arg8[%swap3A_1257, %swap3A_1258] {strides = array<i32>} : memref<128x768xf32, #tpu.memory_space<vmem>>, vector<1x16xf32>,
        %swap3A_1260 = vector.shape_cast %swap3A_1259 : vector<1x16xf32> to vector<16xf32>
        %swap3A_1261 = vector.shape_cast %add3A_1256 : vector<16xf32> to vector<1x16xf32>
        tpu.vector_store %arg8[%swap3A_1257, %swap3A_1258], %swap3A_1261 {strides = array<i32>} : memref<128x768xf32, #tpu.memory_space<vmem>>, vector<1x16xf32>,
        %get3A_1262 = arith.index_cast %scan3A_22 : i32 to index
        %get3A_1263 = arith.constant 672 : index
        %get3A_1264 = tpu.vector_load %arg8[%get3A_1262, %get3A_1263] {strides = array<i32>} : memref<128x768xf32, #tpu.memory_space<vmem>>, vector<1x16xf32>,
        %get3A_1265 = vector.shape_cast %get3A_1264 : vector<1x16xf32> to vector<16xf32>
        %sub3A_1266 = arith.subf %get3A_1265, %mul3A_392 : vector<16xf32>
        %mul3A_1267 = arith.mulf %sub3A_1266, %mul3A_464 : vector<16xf32>
        %get3A_1268 = arith.constant 672 : index
        %get3A_1269 = tpu.vector_load %arg9[%get3A_1268] {strides = array<i32>} : memref<768xf32, #tpu.memory_space<vmem>>, vector<16xf32>,
        %get3A_1270 = vector.shape_cast %get3A_1269 : vector<16xf32> to vector<16xf32>
        %mul3A_1271 = arith.mulf %mul3A_1267, %get3A_1270 : vector<16xf32>
        %get3A_1272 = arith.constant 672 : index
        %get3A_1273 = tpu.vector_load %arg10[%get3A_1272] {strides = array<i32>} : memref<768xf32, #tpu.memory_space<vmem>>, vector<16xf32>,
        %get3A_1274 = vector.shape_cast %get3A_1273 : vector<16xf32> to vector<16xf32>
        %add3A_1275 = arith.addf %mul3A_1271, %get3A_1274 : vector<16xf32>
        %swap3A_1276 = arith.index_cast %scan3A_22 : i32 to index
        %swap3A_1277 = arith.constant 672 : index
        %swap3A_1278 = tpu.vector_load %arg8[%swap3A_1276, %swap3A_1277] {strides = array<i32>} : memref<128x768xf32, #tpu.memory_space<vmem>>, vector<1x16xf32>,
        %swap3A_1279 = vector.shape_cast %swap3A_1278 : vector<1x16xf32> to vector<16xf32>
        %swap3A_1280 = vector.shape_cast %add3A_1275 : vector<16xf32> to vector<1x16xf32>
        tpu.vector_store %arg8[%swap3A_1276, %swap3A_1277], %swap3A_1280 {strides = array<i32>} : memref<128x768xf32, #tpu.memory_space<vmem>>, vector<1x16xf32>,
        %get3A_1281 = arith.index_cast %scan3A_22 : i32 to index
        %get3A_1282 = arith.constant 688 : index
        %get3A_1283 = tpu.vector_load %arg8[%get3A_1281, %get3A_1282] {strides = array<i32>} : memref<128x768xf32, #tpu.memory_space<vmem>>, vector<1x16xf32>,
        %get3A_1284 = vector.shape_cast %get3A_1283 : vector<1x16xf32> to vector<16xf32>
        %sub3A_1285 = arith.subf %get3A_1284, %mul3A_392 : vector<16xf32>
        %mul3A_1286 = arith.mulf %sub3A_1285, %mul3A_464 : vector<16xf32>
        %get3A_1287 = arith.constant 688 : index
        %get3A_1288 = tpu.vector_load %arg9[%get3A_1287] {strides = array<i32>} : memref<768xf32, #tpu.memory_space<vmem>>, vector<16xf32>,
        %get3A_1289 = vector.shape_cast %get3A_1288 : vector<16xf32> to vector<16xf32>
        %mul3A_1290 = arith.mulf %mul3A_1286, %get3A_1289 : vector<16xf32>
        %get3A_1291 = arith.constant 688 : index
        %get3A_1292 = tpu.vector_load %arg10[%get3A_1291] {strides = array<i32>} : memref<768xf32, #tpu.memory_space<vmem>>, vector<16xf32>,
        %get3A_1293 = vector.shape_cast %get3A_1292 : vector<16xf32> to vector<16xf32>
        %add3A_1294 = arith.addf %mul3A_1290, %get3A_1293 : vector<16xf32>
        %swap3A_1295 = arith.index_cast %scan3A_22 : i32 to index
        %swap3A_1296 = arith.constant 688 : index
        %swap3A_1297 = tpu.vector_load %arg8[%swap3A_1295, %swap3A_1296] {strides = array<i32>} : memref<128x768xf32, #tpu.memory_space<vmem>>, vector<1x16xf32>,
        %swap3A_1298 = vector.shape_cast %swap3A_1297 : vector<1x16xf32> to vector<16xf32>
        %swap3A_1299 = vector.shape_cast %add3A_1294 : vector<16xf32> to vector<1x16xf32>
        tpu.vector_store %arg8[%swap3A_1295, %swap3A_1296], %swap3A_1299 {strides = array<i32>} : memref<128x768xf32, #tpu.memory_space<vmem>>, vector<1x16xf32>,
        %get3A_1300 = arith.index_cast %scan3A_22 : i32 to index
        %get3A_1301 = arith.constant 704 : index
        %get3A_1302 = tpu.vector_load %arg8[%get3A_1300, %get3A_1301] {strides = array<i32>} : memref<128x768xf32, #tpu.memory_space<vmem>>, vector<1x16xf32>,
        %get3A_1303 = vector.shape_cast %get3A_1302 : vector<1x16xf32> to vector<16xf32>
        %sub3A_1304 = arith.subf %get3A_1303, %mul3A_392 : vector<16xf32>
        %mul3A_1305 = arith.mulf %sub3A_1304, %mul3A_464 : vector<16xf32>
        %get3A_1306 = arith.constant 704 : index
        %get3A_1307 = tpu.vector_load %arg9[%get3A_1306] {strides = array<i32>} : memref<768xf32, #tpu.memory_space<vmem>>, vector<16xf32>,
        %get3A_1308 = vector.shape_cast %get3A_1307 : vector<16xf32> to vector<16xf32>
        %mul3A_1309 = arith.mulf %mul3A_1305, %get3A_1308 : vector<16xf32>
        %get3A_1310 = arith.constant 704 : index
        %get3A_1311 = tpu.vector_load %arg10[%get3A_1310] {strides = array<i32>} : memref<768xf32, #tpu.memory_space<vmem>>, vector<16xf32>,
        %get3A_1312 = vector.shape_cast %get3A_1311 : vector<16xf32> to vector<16xf32>
        %add3A_1313 = arith.addf %mul3A_1309, %get3A_1312 : vector<16xf32>
        %swap3A_1314 = arith.index_cast %scan3A_22 : i32 to index
        %swap3A_1315 = arith.constant 704 : index
        %swap3A_1316 = tpu.vector_load %arg8[%swap3A_1314, %swap3A_1315] {strides = array<i32>} : memref<128x768xf32, #tpu.memory_space<vmem>>, vector<1x16xf32>,
        %swap3A_1317 = vector.shape_cast %swap3A_1316 : vector<1x16xf32> to vector<16xf32>
        %swap3A_1318 = vector.shape_cast %add3A_1313 : vector<16xf32> to vector<1x16xf32>
        tpu.vector_store %arg8[%swap3A_1314, %swap3A_1315], %swap3A_1318 {strides = array<i32>} : memref<128x768xf32, #tpu.memory_space<vmem>>, vector<1x16xf32>,
        %get3A_1319 = arith.index_cast %scan3A_22 : i32 to index
        %get3A_1320 = arith.constant 720 : index
        %get3A_1321 = tpu.vector_load %arg8[%get3A_1319, %get3A_1320] {strides = array<i32>} : memref<128x768xf32, #tpu.memory_space<vmem>>, vector<1x16xf32>,
        %get3A_1322 = vector.shape_cast %get3A_1321 : vector<1x16xf32> to vector<16xf32>
        %sub3A_1323 = arith.subf %get3A_1322, %mul3A_392 : vector<16xf32>
        %mul3A_1324 = arith.mulf %sub3A_1323, %mul3A_464 : vector<16xf32>
        %get3A_1325 = arith.constant 720 : index
        %get3A_1326 = tpu.vector_load %arg9[%get3A_1325] {strides = array<i32>} : memref<768xf32, #tpu.memory_space<vmem>>, vector<16xf32>,
        %get3A_1327 = vector.shape_cast %get3A_1326 : vector<16xf32> to vector<16xf32>
        %mul3A_1328 = arith.mulf %mul3A_1324, %get3A_1327 : vector<16xf32>
        %get3A_1329 = arith.constant 720 : index
        %get3A_1330 = tpu.vector_load %arg10[%get3A_1329] {strides = array<i32>} : memref<768xf32, #tpu.memory_space<vmem>>, vector<16xf32>,
        %get3A_1331 = vector.shape_cast %get3A_1330 : vector<16xf32> to vector<16xf32>
        %add3A_1332 = arith.addf %mul3A_1328, %get3A_1331 : vector<16xf32>
        %swap3A_1333 = arith.index_cast %scan3A_22 : i32 to index
        %swap3A_1334 = arith.constant 720 : index
        %swap3A_1335 = tpu.vector_load %arg8[%swap3A_1333, %swap3A_1334] {strides = array<i32>} : memref<128x768xf32, #tpu.memory_space<vmem>>, vector<1x16xf32>,
        %swap3A_1336 = vector.shape_cast %swap3A_1335 : vector<1x16xf32> to vector<16xf32>
        %swap3A_1337 = vector.shape_cast %add3A_1332 : vector<16xf32> to vector<1x16xf32>
        tpu.vector_store %arg8[%swap3A_1333, %swap3A_1334], %swap3A_1337 {strides = array<i32>} : memref<128x768xf32, #tpu.memory_space<vmem>>, vector<1x16xf32>,
        %get3A_1338 = arith.index_cast %scan3A_22 : i32 to index
        %get3A_1339 = arith.constant 736 : index
        %get3A_1340 = tpu.vector_load %arg8[%get3A_1338, %get3A_1339] {strides = array<i32>} : memref<128x768xf32, #tpu.memory_space<vmem>>, vector<1x16xf32>,
        %get3A_1341 = vector.shape_cast %get3A_1340 : vector<1x16xf32> to vector<16xf32>
        %sub3A_1342 = arith.subf %get3A_1341, %mul3A_392 : vector<16xf32>
        %mul3A_1343 = arith.mulf %sub3A_1342, %mul3A_464 : vector<16xf32>
        %get3A_1344 = arith.constant 736 : index
        %get3A_1345 = tpu.vector_load %arg9[%get3A_1344] {strides = array<i32>} : memref<768xf32, #tpu.memory_space<vmem>>, vector<16xf32>,
        %get3A_1346 = vector.shape_cast %get3A_1345 : vector<16xf32> to vector<16xf32>
        %mul3A_1347 = arith.mulf %mul3A_1343, %get3A_1346 : vector<16xf32>
        %get3A_1348 = arith.constant 736 : index
        %get3A_1349 = tpu.vector_load %arg10[%get3A_1348] {strides = array<i32>} : memref<768xf32, #tpu.memory_space<vmem>>, vector<16xf32>,
        %get3A_1350 = vector.shape_cast %get3A_1349 : vector<16xf32> to vector<16xf32>
        %add3A_1351 = arith.addf %mul3A_1347, %get3A_1350 : vector<16xf32>
        %swap3A_1352 = arith.index_cast %scan3A_22 : i32 to index
        %swap3A_1353 = arith.constant 736 : index
        %swap3A_1354 = tpu.vector_load %arg8[%swap3A_1352, %swap3A_1353] {strides = array<i32>} : memref<128x768xf32, #tpu.memory_space<vmem>>, vector<1x16xf32>,
        %swap3A_1355 = vector.shape_cast %swap3A_1354 : vector<1x16xf32> to vector<16xf32>
        %swap3A_1356 = vector.shape_cast %add3A_1351 : vector<16xf32> to vector<1x16xf32>
        tpu.vector_store %arg8[%swap3A_1352, %swap3A_1353], %swap3A_1356 {strides = array<i32>} : memref<128x768xf32, #tpu.memory_space<vmem>>, vector<1x16xf32>,
        %get3A_1357 = arith.index_cast %scan3A_22 : i32 to index
        %get3A_1358 = arith.constant 752 : index
        %get3A_1359 = tpu.vector_load %arg8[%get3A_1357, %get3A_1358] {strides = array<i32>} : memref<128x768xf32, #tpu.memory_space<vmem>>, vector<1x16xf32>,
        %get3A_1360 = vector.shape_cast %get3A_1359 : vector<1x16xf32> to vector<16xf32>
        %sub3A_1361 = arith.subf %get3A_1360, %mul3A_392 : vector<16xf32>
        %mul3A_1362 = arith.mulf %sub3A_1361, %mul3A_464 : vector<16xf32>
        %get3A_1363 = arith.constant 752 : index
        %get3A_1364 = tpu.vector_load %arg9[%get3A_1363] {strides = array<i32>} : memref<768xf32, #tpu.memory_space<vmem>>, vector<16xf32>,
        %get3A_1365 = vector.shape_cast %get3A_1364 : vector<16xf32> to vector<16xf32>
        %mul3A_1366 = arith.mulf %mul3A_1362, %get3A_1365 : vector<16xf32>
        %get3A_1367 = arith.constant 752 : index
        %get3A_1368 = tpu.vector_load %arg10[%get3A_1367] {strides = array<i32>} : memref<768xf32, #tpu.memory_space<vmem>>, vector<16xf32>,
        %get3A_1369 = vector.shape_cast %get3A_1368 : vector<16xf32> to vector<16xf32>
        %add3A_1370 = arith.addf %mul3A_1366, %get3A_1369 : vector<16xf32>
        %swap3A_1371 = arith.index_cast %scan3A_22 : i32 to index
        %swap3A_1372 = arith.constant 752 : index
        %swap3A_1373 = tpu.vector_load %arg8[%swap3A_1371, %swap3A_1372] {strides = array<i32>} : memref<128x768xf32, #tpu.memory_space<vmem>>, vector<1x16xf32>,
        %swap3A_1374 = vector.shape_cast %swap3A_1373 : vector<1x16xf32> to vector<16xf32>
        %swap3A_1375 = vector.shape_cast %add3A_1370 : vector<16xf32> to vector<1x16xf32>
        tpu.vector_store %arg8[%swap3A_1371, %swap3A_1372], %swap3A_1375 {strides = array<i32>} : memref<128x768xf32, #tpu.memory_space<vmem>>, vector<1x16xf32>,
      }
      %scan3A_21 = arith.constant 128 : i32
      "tpu.region"() ({
        %run_scoped3A = tpu.sem_alloc : memref<!tpu.dma_semaphore, #tpu.memory_space<semaphore_mem>>
        %dma_start3A_22 = arith.constant 0 : i32
        %dma_start3A_23 = tpu.memref_slice %arg6[%add3A_11, %dma_start3A_22] : memref<32768x768xf32, #tpu.memory_space<hbm>> -> memref<128x768xf32, #tpu.memory_space<hbm>>
        %dma_start3A_24 = arith.constant 0 : i32
        %dma_start3A_25 = tpu.memref_slice %arg6[%add3A_11, %dma_start3A_24] : memref<32768x768xf32, #tpu.memory_space<hbm>> -> memref<128x768xf32, #tpu.memory_space<hbm>>
        tpu.enqueue_dma source(%arg8 : memref<128x768xf32, #tpu.memory_space<vmem>>) target(%dma_start3A_25 : memref<128x768xf32, #tpu.memory_space<hbm>>) target_semaphore(%run_scoped3A : memref<!tpu.dma_semaphore, #tpu.memory_space<semaphore_mem>>)
        %dma_wait3A_26 = arith.constant 0 : i32
        %dma_wait3A_27 = tpu.memref_slice %arg6[%add3A_11, %dma_wait3A_26] : memref<32768x768xf32, #tpu.memory_space<hbm>> -> memref<128x768xf32, #tpu.memory_space<hbm>>
        %dma_wait3A_28 = arith.constant 0 : i32
        %dma_wait3A_29 = tpu.memref_slice %arg6[%add3A_11, %dma_wait3A_28] : memref<32768x768xf32, #tpu.memory_space<hbm>> -> memref<128x768xf32, #tpu.memory_space<hbm>>
        tpu.wait_dma2 semaphore(%run_scoped3A : memref<!tpu.dma_semaphore, #tpu.memory_space<semaphore_mem>>) src(%arg8 : memref<128x768xf32, #tpu.memory_space<vmem>>) dst(%dma_wait3A_29 : memref<128x768xf32, #tpu.memory_space<hbm>>)
        tpu.yield
      }) : () -> ()
    }
    %scan3A_7 = arith.constant 8 : i32
    return
  }
}

</mosaic_0001>

<sc_bundles>
// kernel: _emb_ln.3.cloned.1.call-start
scs
__scs_entry_jumppad:
0x0: {  	(pc) =	sbr.rel $0x88, $3  }
0x1: {  	(tag) =	ssettag $0x0;
	lr =	simm.s32 $0x1  }
0x2: {  	[smem:$0x3F9D] =	sst lr;
	_ =	strace $0xD0000000  }
0x3: {  	_ = 	snop  }
0x4: {  	_ = 	snop  }
0x5: {  	_ = 	snop  }
0x6: {  	_ = 	snop  }
0x7: {  	_ = 	snop  }
__scs_overlays_trampoline_lowered:
0x8: {  	[smem:$0x3FAC] =	sst s0  }
0x9: {  	[smem:$0x3FAD] =	sst s1  }
0xa: {  	[smem:$0x3FAE] =	sst s2  }
0xb: {  	[smem:$0x3FAF] =	sst s3  }
0xc: {  	[smem:$0x3FB0] =	sst s4  }
0xd: {  	[smem:$0x3FB1] =	sst s5  }
0xe: {  	[smem:$0x3FB2] =	sst s6  }
0xf: {  	[smem:$0x3FB3] =	sst s7  }
0x10: {  	[smem:$0x3FB4] =	sst s8  }
0x11: {  	[smem:$0x3FB5] =	sst s9;
	s0 =	simm.s32 @!p0 $0x0  }
0x12: {  	s1 =	sld [smem:$0x3F9B];
	s0 =	simm.s32 @p0 $0x1  }
0x13: {  	[smem:$0x3FB6] =	sst s0;
	s0 =	simm.s32 @!p1 $0x0  }
0x14: {  	s2 =	sld [smem:$0x3F9A];
	s0 =	simm.s32 @p1 $0x1  }
0x15: {  	[smem:$0x3FB7] =	sst s0;
	s0 =	simm.s32 @!p2 $0x0  }
0x16: {  	s3 =	sld [smem:$0x3FDB];
	s0 =	simm.s32 @p2 $0x1  }
0x17: {  	s4 =	simm.s32 $0x1BF5;
	[smem:$0x3FB9] =	sst s0  }
0x18: {  	s0 =	sld [smem:$0x3F9C];
	_ =	swait.ge [sflag:s4], $0x0  }
0x19: {  	s7 =	sld [smem:$0x3F9D]  }
0x1a: {  	s8 =	sadd.s32 $0xFFFFE003, lr  }
0x1b: {  	s9 =	sadd.s32 $0xFFFFFEF7, lr;
	s5 =	simm.s32 $0xFFFFFFFF;
	p2 =	slt.u32 s8, $0xFFFFF086  }
0x1c: {  	p1 =	slt.u32 s9, $0xF7A;
	s5 =	simm.s32 @!p2 $0x0  }
0x1d: {  	s5 =	simm.s32 @p1 $0x1;
	p0 =	seq.s32 s7, s2  }
0x1e: {  	s7 =	smul.u32 @!p0 $0xF7A, s2;
	p2 =	seq.s32 @!p0 s5, $0x0  }
0x1f: {  	s9 =	smul.u32 $0xF7A, s1;
	s8 =	simm.s32 @!p0 $0x1BF5;
	p2 =	por !p2, p0  }
0x20: {  	[sflag:s8] =	ssyncset.s32 @!p0 $0xFFFFF086;
	s6 =	sadd.s32 @!p0 s3, s7;
	s7 =	simm.s32 @!p0 $0x108  }
0x21: {  	s3 =	sadd.s32 s3, s9;
	s6 =	sadd.s32 @!p0 $0x88, s6;
	s7 =	simm.s32 @p2 $0x1082  }
0x22: {  	[simem:s7], [sflag:s8] =	dma.local @!p0 [hbm:s6], $0xF7A  }
0x23: {  	s9 =	sor.u32 $0xD0000000, s2;
	s6 =	simm.s32 $0x108;
	_ =	swait.ge @!p0 [sflag:s8], $0x0  }
0x24: {  	s3 =	sadd.s32 $0x88, s3;
	s6 =	simm.s32 @!p1 $0x1082;
	[sflag:s4] =	ssyncset.s32 $0xFFFFF086  }
0x25: {  	[simem:s6], [sflag:s4] =	dma.local [hbm:s3], $0xF7A  }
0x26: {  	[smem:$0x3F9D] =	sst s1;
	(tag) =	ssettag s2;
	_ =	strace s9  }
0x27: {  	s1 =	sld [smem:$0x3FAD]  }
0x28: {  	s2 =	sld [smem:$0x3FAE]  }
0x29: {  	s4 =	sld [smem:$0x3FB0]  }
0x2a: {  	p0 =	seq.s32 s5, $0x0;
	s5 =	sld [smem:$0x3FB1]  }
0x2b: {  	s6 =	sld [smem:$0x3FB2]  }
0x2c: {  	s7 =	sld [smem:$0x3FB3]  }
0x2d: {  	s3 =	simm.s32 $0x108;
	s8 =	sld [smem:$0x3FB4]  }
0x2e: {  	s3 =	simm.s32 @!p0 $0x1082;
	s9 =	sld [smem:$0x3FB5]  }
0x2f: {  	lr =	sadd.s32 s0, s3;
	s0 =	sld [smem:$0x3FAC]  }
0x30: {  	s3 =	sld [smem:$0x3FAF]  }
0x31: {  	[smem:$0x3FB8] =	sst s10  }
0x32: {  	s10 =	sld [smem:$0x3FB6];
	_ =	sdelay $0x3  }
0x33: {  	p0 =	seq.s32 s10, $0x1;
	s10 =	sld [smem:$0x3FB8];
	_ =	sdelay $0x3  }
0x34: {  	[smem:$0x3FB8] =	sst s10  }
0x35: {  	s10 =	sld [smem:$0x3FB7];
	_ =	sdelay $0x3  }
0x36: {  	p1 =	seq.s32 s10, $0x1;
	s10 =	sld [smem:$0x3FB8];
	_ =	sdelay $0x3  }
0x37: {  	[smem:$0x3FB8] =	sst s10  }
0x38: {  	s10 =	sld [smem:$0x3FB9]  }
0x39: {  	_ = 	snop;
	(pc) =	sbr.ind lr, $3  }
0x3a: {  	_ = 	snop  }
0x3b: {  	_ = 	snop  }
0x3c: {  	p2 =	seq.s32 s10, $0x1;
	s10 =	sld [smem:$0x3FB8]  }
0x3d: {  	_ =	shalt  }
0x3e: {  	_ =	shalt  }
0x3f: {  	_ =	shalt  }
0x40: {  	_ =	shalt  }
0x41: {  	_ =	shalt  }
0x42: {  	_ =	shalt  }
0x43: {  	_ =	shalt  }
0x44: {  	_ =	shalt  }
0x45: {  	_ =	shalt  }
0x46: {  	_ =	shalt  }
0x47: {  	_ =	shalt  }
0x48: {  	_ =	shalt  }
0x49: {  	_ =	shalt  }
0x4a: {  	_ =	shalt  }
0x4b: {  	_ =	shalt  }
0x4c: {  	_ =	shalt  }
0x4d: {  	_ =	shalt  }
0x4e: {  	_ =	shalt  }
0x4f: {  	_ =	shalt  }
0x50: {  	_ =	shalt  }
0x51: {  	_ =	shalt  }
0x52: {  	_ =	shalt  }
0x53: {  	_ =	shalt  }
0x54: {  	_ =	shalt  }
0x55: {  	_ =	shalt  }
0x56: {  	_ =	shalt  }
0x57: {  	_ =	shalt  }
0x58: {  	_ =	shalt  }
0x59: {  	_ =	shalt  }
0x5a: {  	_ =	shalt  }
0x5b: {  	_ =	shalt  }
0x5c: {  	_ =	shalt  }
0x5d: {  	_ =	shalt  }
0x5e: {  	_ =	shalt  }
0x5f: {  	_ =	shalt  }
0x60: {  	_ =	shalt  }
0x61: {  	_ =	shalt  }
0x62: {  	_ =	shalt  }
0x63: {  	_ =	shalt  }
0x64: {  	_ =	shalt  }
0x65: {  	_ =	shalt  }
0x66: {  	_ =	shalt  }
0x67: {  	_ =	shalt  }
0x68: {  	_ =	shalt  }
0x69: {  	_ =	shalt  }
0x6a: {  	_ =	shalt  }
0x6b: {  	_ =	shalt  }
0x6c: {  	_ =	shalt  }
0x6d: {  	_ =	shalt  }
0x6e: {  	_ =	shalt  }
0x6f: {  	_ =	shalt  }
0x70: {  	_ =	shalt  }
0x71: {  	_ =	shalt  }
0x72: {  	_ =	shalt  }
0x73: {  	_ =	shalt  }
0x74: {  	_ =	shalt  }
0x75: {  	_ =	shalt  }
0x76: {  	_ =	shalt  }
0x77: {  	_ =	shalt  }
0x78: {  	_ =	shalt  }
0x79: {  	_ =	shalt  }
0x7a: {  	_ =	shalt  }
0x7b: {  	_ =	shalt  }
0x7c: {  	_ =	shalt  }
0x7d: {  	_ =	shalt  }
0x7e: {  	_ =	shalt  }
0x7f: {  	_ =	shalt  }
0x80: {  	_ =	shalt  }
0x81: {  	_ =	shalt  }
0x82: {  	_ =	shalt  }
0x83: {  	_ =	shalt  }
0x84: {  	_ =	shalt  }
0x85: {  	_ =	shalt  }
0x86: {  	_ =	shalt  }
0x87: {  	_ =	shalt  }
.Lfunc_end0:
.L_simem_size_0:
called_computation_lowered:
.L_overlay_start_0:
0x88: {  	s2 =	sld [smem:$0x3FD9]  }
0x89: {  	s3 =	sld [smem:$0x3FFE];
	_ =	sdelay $0x1  }
0x8a: {  	s1 =	srdreg.scid  }
0x8b: {  	s0 =	sand.u32 $0x1, s1  }
0x8c: {  	s18 =	sshll.u32 s0, $0xA;
	s2 =	sadd.s32 s3, s2  }
0x8d: {  	s2 =	sadd.s32 s2, s18  }
0x8e: {  	[smem:$0x3FC4] =	sst s2  }
0x8f: {  	_ = 	snop  }
0x90: {  	s2 =	sld [smem:$0x3FC9]  }
0x91: {  	s19 =	sld [smem:$0x3FC8]  }
0x92: {  	s4 =	sld [smem:$0x3FC7]  }
0x93: {  	s5 =	sld [smem:$0x3FC6]  }
0x94: {  	s6 =	sld [smem:$0x3FD0];
	(tm) =	ssettm $0x1  }
0x95: {  	s7 =	sld [smem:$0x3FFB];
	_ =	sdelay $0x3  }
0x96: {  	_ =	strace s7  }
0x97: {  	s7 =	sld [smem:$0x3FFC];
	_ =	sdelay $0x3  }
0x98: {  	_ =	strace s7  }
0x99: {  	s7 =	sld [smem:$0x3FFD];
	_ =	sdelay $0x3  }
0x9a: {  	_ =	strace s7  }
0x9b: {  	_ =	strace $0x8FFFFFFF  }
0x9c: {  	s20 =	sld [smem:$0x3FDB];
	_ =	sdelay $0x1  }
0x9d: {  	s8 =	simm.s32 $_scs_section_size  }
0x9e: {  	s9 =	simm.s32 $_size__tile_overlayer_lowered;
	s10 =	simm.s32 $_tile_overlayer_lowered  }
0x9f: {  	s23 =	simm.s32 $0x1BFF;
	s22 =	sshll.u32 s10, $0x1;
	s7 =	sadd.s32 s8, s20  }
0xa0: {  	s11 =	simm.s32 $0x0;
	s21 =	sshll.u32 s9, $0x1;
	s9 =	sadd.s32 s22, s7  }
0xa1: {  	[timem:s11], [sflag:s23] =	dma.local [hbm:s9], s21  }
0xa2: {  	_ =	swait.ge [sflag:s23], s21  }
0xa3: {  	s8 =	ssub.s32 $0x0, s21;
	[sflag:s23] =	ssyncset.done $0x0  }
0xa4: {  	[sflag:s23] =	ssyncadd.s32 s8;
	_ =	sdelay $0x1  }
0xa5: {  	s24 =	simm.s32 $0x1B8B  }
0xa6: {  	_ =	swait.ge [sflag:s24], $0x1  }
0xa7: {  	[sflag:s24] =	ssyncset.done $0x0  }
0xa8: {  	s25 =	simm.s32 $0x1B8E;
	[sflag:s24] =	ssyncadd.s32 $0xFFFFFFFF  }
0xa9: {  	s26 =	simm.s32 $execute0_lowered;
	[smem:$0x3FD2] =	sst s25  }
0xaa: {  	s8 =	sshll.u32 s26, $0x1;
	_ =	strace $0x80000046;
	[dreg:$0x1] =	wrdreg $0xFFFFFFFF  }
0xab: {  	s28 =	simm.s32 $_size_execute0_lowered;
	s7 =	sadd.s32 s7, s8;
	[dreg:$0x0] =	wrdreg $0x0  }
0xac: {  	s8 =	sshll.u32 s28, $0x1;
	[dreg:$0x2] =	wrdreg s7  }
0xad: {  	[dreg:$0x3] =	wrdreg s8  }
0xae: {  	[dreg:$0x4] =	wrdreg $0xC0  }
0xaf: {  	_ =	task [dreg:s11], $0x5FFFF  }
0xb0: {  	[dreg:$0x1] =	wrdreg $0xFFFFFFFF  }
0xb1: {  	[dreg:$0x0] =	wrdreg $0x60  }
0xb2: {  	[dreg:$0x2] =	wrdreg s2  }
0xb3: {  	[dreg:$0x3] =	wrdreg s19  }
0xb4: {  	[dreg:$0x4] =	wrdreg s4  }
0xb5: {  	[dreg:$0x5] =	wrdreg s5  }
0xb6: {  	[dreg:$0x6] =	wrdreg s6  }
0xb7: {  	[dreg:$0x7] =	wrdreg $0x9  }
0xb8: {  	_ =	task.clear_ibuf [dreg:s11], $0x8FFFF;
	_ =	strace $0x90000046  }
0xb9: {  	s29 =	simm.s32 $0x9;
	_ =	strace $0x80000048  }
0xba: {  	_ =	swait.ge [sflag:s29], $0x1  }
0xbb: {  	[sflag:s29] =	ssyncadd.s32 $0xFFFFFFFF  }
0xbc: {  	_ =	strace $0x90000048  }
0xbd: {  	_ =	sfence  }
0xbe: {  	s30 =	sld [smem:$0x0];
	_ =	sdelay $0x2  }
0xbf: {  	s31 =	sshll.u32 s1, $0xD;
	s1 =	sshrl.u32 s1, $0x2  }
0xc0: {  	s3 =	sand.u32 $0x4000, s31;
	s1 =	sadd.s32 s1, s30  }
0xc1: {  	s0 =	sor.u32 s3, s0;
	s1 =	sshll.u32 s1, $0x11  }
0xc2: {  	s0 =	sor.u32 s1, s0  }
0xc3: {  	s0 =	sadd.s32 $0x8F2B, s0  }
0xc4: {  	[sflag:s0] =	ssyncadd.remote.s32 $0x1  }
0xc5: {  	_ =	sfence.sel $0xFFFF  }
0xc6: {  	[dreg:$0x0] =	wrdreg $0xFFFFFFFF;
	(pc) =	sbr.abs _section_cstart, $3  }
0xc7: {  	[dreg:$0x1] =	wrdreg $0xFFFFFFFF  }
0xc8: {  	_ =	task.clear_ibuf [dreg:s11], $0x2FFFF;
	_ =	strace $0x9FFFFFFF  }
0xc9: {  	(tm) =	ssettm $0x7FFFFFFF  }
tec
execute0_lowered:
.L_overlay_start_1:
0x0: {  	(tag) =	ssettag $0x1  }
0x1: {  	s2 =	rddreg [dreg:$0x1];
	s0 =	srdreg.scid;
	s1 =	simm.s32 $0x0;
	v0 =	vimm.s32 $0xEFCDAB89;
	v1 =	vimm.s32 $0x67452301;
	v2 =	vimm.s32 $0xDCFE98BA  }
0x2: {  	s4 =	stileid.u32;
	s13 =	simm.s32 $0x2;
	s15 =	simm.s32 $0x80;
	v4 =	vimm.s32 $0x54761032;
	v0 =	vunpack.c.l.s4.s8 v0;
	v1 =	vunpack.c.l.s4.s8 v1  }
0x3: {  	v3 =	vlaneseq.u32;
	v5 =	vimm.s32 $0xBA98FEDC;
	s22 =	simm.s32 $0xF880;
	s23 =	simm.s32 $0x10080;
	s28 =	simm.s32 $0x12080  }
0x4: {  	s29 =	simm.s32 $0x12880;
	s30 =	simm.s32 $0x13080;
	s31 =	simm.s32 $0x13880;
	v2 =	vunpack.c.l.s4.s8 v2;
	v0 =	vunpack.c.0.s8.s32 v0;
	v1 =	vunpack.c.0.s8.s32 v1  }
0x5: {  	v6 =	vimm.s32 $0x32107654;
	s7 =	simm.s32 $0x14880;
	s12 =	simm.s32 $0x16080;
	s14 =	simm.s32 $0x16880;
	v4 =	vunpack.c.l.s4.s8 v4;
	v5 =	vunpack.c.l.s4.s8 v5  }
0x6: {  	s11 =	simm.s32 $0x17080;
	s6 =	simm.s32 $0x17880;
	s16 =	simm.s32 $0x0;
	v7 =	vcombine.low v1, v0;
	v0 =	vunpack.c.0.s8.s32 v2;
	v1 =	vunpack.c.l.s4.s8 v6  }
0x7: {  	s21 =	simm.s32 $0x0;
	s0 =	sand.u32 $0x1, s0;
	[smem:$0x7FF] =	sst s1;
	v2 =	vunpack.c.0.s8.s32 v4;
	v4 =	vunpack.c.0.s8.s32 v5;
	v5 =	vimm.s32 $0xFEDCBA98  }
0x8: {  	s25 =	sshll.u32 s4, $0x8;
	s9 =	sadd.s32 $0x100, s2;
	s10 =	sadd.s32 $0x200, s2;
	v6 =	vimm.s32 $0x76543210;
	v5 =	vunpack.c.l.s4.s8 v5;
	v1 =	vunpack.c.0.s8.s32 v1  }
0x9: {  	vm0 =	vmmov $0xffff;
	s4 =	simm.s32 $0x15880;
	s24 =	ssub.s32 $0x2, s0;
	s0 =	sshll.u32 s0, $0x7;
	v8 =	vcombine.low v2, v0;
	v2 =	vunpack.c.l.s4.s8 v6  }
0xa: {  	_ =	strace $0x80000047;
	s3 =	sshrl.u32 s24, $0x1;
	s8 =	sor.u32 s0, s25;
	v0 =	vand.u32 $0x7, v3;
	v6 =	vcombine.low v1, v4;
	v4 =	vunpack.c.0.s8.s32 v5  }
0xb: {  	s25 =	simm.s32 $0x11080;
	s0 =	simm.s32 $0x14080;
	s1 =	ssub.s32 s24, s3;
	v1 =	vshrl.u32 v3, $0x3;
	v9 =	vunpack.c.0.s8.s32 v2;
	v2 =	vor.u32 $0x8, v3  }
0xc: {  	s24 =	simm.s32 $0x10880;
	s3 =	simm.s32 $0x15080;
	s26 =	smax.u32 s1, $0x1;
	v3 =	vand.u32 $0xF, v7;
	v1 =	vmul.u32 $0x8, v1;
	v7 =	vand.u32 $0xF, v4  }
0xd: {  	s1 =	simm.s32 $0x1;
	[dreg:$0x6] =	wrdreg s26;
	s26 =	simm.s32 $0x11880;
	v4 =	vand.u32 $0xF, v8;
	v5 =	vand.u32 $0xF, v6;
	v6 =	vcombine.low v7, v9  }
.LBB2_1:
0xe: {  	[dreg:$0x7] =	wrdreg s16  }
0xf: {  	s5 =	rddreg [dreg:$0x2];
	s18 =	simm.s32 $0x0;
	s17 =	simm.s32 $0x18080  }
0x10: {  	[tilespmem:s17], [sflag:$0x2] =	stream.linear.gather [hbm4b:s5+s18], $0x300, $0x38;
	[tilespmem:$0x18680] =	vst v63  }
0x11: {  	_ =	swait.ge [sflag:s13], $0x300  }
0x12: {  	[sflag:s13] =	ssyncset.done $0x0  }
0x13: {  	[sflag:s13] =	ssyncadd.s32 $0xFFFFFD00  }
0x14: {  	s20 =	simm.s32 $0x18380;
	s19 =	rddreg [dreg:$0x3]  }
0x15: {  	[tilespmem:s20], [sflag:$0x2] =	stream.linear.gather [hbm4b:s19+s18], $0x300, $0x38;
	[tilespmem:$0x18680] =	vst v63  }
0x16: {  	_ =	swait.ge [sflag:s13], $0x300  }
0x17: {  	[sflag:s13] =	ssyncset.done $0x0  }
0x18: {  	s5 =	simm.s32 $0x0;
	[sflag:s13] =	ssyncadd.s32 $0xFFFFFD00  }
.LBB2_2:
0x19: {  	s16 =	sshll.u32 s5, $0x4  }
0x1a: {  	s17 =	rddreg [dreg:$0x0];
	s16 =	sadd.s32 s8, s16  }
0x1b: {  	s18 =	sadd.s32 s17, s16;
	s17 =	simm.s32 $0x0  }
0x1c: {  	[tilespmem:s17], [sflag:$0x2] =	stream.linear.gather [hbm4b:s18+s17], $0x80, $0x38;
	[tilespmem:$0x18680] =	vst v63  }
0x1d: {  	_ =	swait.ge [sflag:s13], $0x80  }
0x1e: {  	[sflag:s13] =	ssyncset.done $0x0  }
0x1f: {  	[sflag:s13] =	ssyncadd.s32 $0xFFFFFF80  }
0x20: {  	v7 =	vld [tilespmem:$0x0];
	_ =	sdelay $0x4  }
0x21: {  	v8 =	vshrl.u32 v7, $0x3  }
0x22: {  	v8 =	vmul.u32 $0x30, v8  }
0x23: {  	v7 =	vand.u32 $0x7, v7  }
0x24: {  	v7 =	vor.u32 v7, v8  }
0x25: {  	v8 =	vperm.xlane v7, v0;
	_ =	sdelay $0x1  }
0x26: {  	v8 =	vadd.s32 v1, v8;
	_ =	sdelay $0x3  }
0x27: {  	v7 =	vperm.xlane v7, v2  }
0x28: {  	[tilespmem:s15], [sflag:$0x1] =	stream.indirect_vreg.gather [hbm4b:s2+s17], $0x80, v8, vm0, $0xb8;
	[tilespmem:$0x18680] =	vst v63  }
0x29: {  	s19 =	simm.s32 $0x880;
	v7 =	vadd.s32 v1, v7  }
0x2a: {  	[tilespmem:s19], [sflag:$0x1] =	stream.indirect_vreg.gather [hbm4b:s9+s17], $0x80, v8, vm0, $0xb8;
	[tilespmem:$0x18680] =	vst v63  }
0x2b: {  	s20 =	simm.s32 $0x1080  }
0x2c: {  	[tilespmem:s20], [sflag:$0x1] =	stream.indirect_vreg.gather [hbm4b:s10+s17], $0x80, v8, vm0, $0xb8;
	[tilespmem:$0x18680] =	vst v63  }
0x2d: {  	s19 =	simm.s32 $0x1880  }
0x2e: {  	[tilespmem:s19], [sflag:$0x1] =	stream.indirect_vreg.gather [hbm4b:s2+s17], $0x80, v7, vm0, $0xb8;
	[tilespmem:$0x18680] =	vst v63  }
0x2f: {  	s20 =	simm.s32 $0x2080  }
0x30: {  	[tilespmem:s20], [sflag:$0x1] =	stream.indirect_vreg.gather [hbm4b:s9+s17], $0x80, v7, vm0, $0xb8;
	[tilespmem:$0x18680] =	vst v63  }
0x31: {  	s19 =	simm.s32 $0x2880  }
0x32: {  	[tilespmem:s19], [sflag:$0x1] =	stream.indirect_vreg.gather [hbm4b:s10+s17], $0x80, v7, vm0, $0xb8;
	[tilespmem:$0x18680] =	vst v63  }
0x33: {  	v7 =	vld [tilespmem:$0x10];
	_ =	sdelay $0x4  }
0x34: {  	v8 =	vshrl.u32 v7, $0x3  }
0x35: {  	v8 =	vmul.u32 $0x30, v8  }
0x36: {  	v7 =	vand.u32 $0x7, v7  }
0x37: {  	v7 =	vor.u32 v7, v8  }
0x38: {  	v8 =	vperm.xlane v7, v0;
	_ =	sdelay $0x1  }
0x39: {  	v8 =	vadd.s32 v1, v8;
	_ =	sdelay $0x3  }
0x3a: {  	s20 =	simm.s32 $0x3080;
	v7 =	vperm.xlane v7, v2  }
0x3b: {  	[tilespmem:s20], [sflag:$0x1] =	stream.indirect_vreg.gather [hbm4b:s2+s17], $0x80, v8, vm0, $0xb8;
	[tilespmem:$0x18680] =	vst v63  }
0x3c: {  	s19 =	simm.s32 $0x3880;
	v7 =	vadd.s32 v1, v7  }
0x3d: {  	[tilespmem:s19], [sflag:$0x1] =	stream.indirect_vreg.gather [hbm4b:s9+s17], $0x80, v8, vm0, $0xb8;
	[tilespmem:$0x18680] =	vst v63  }
0x3e: {  	s20 =	simm.s32 $0x4080  }
0x3f: {  	[tilespmem:s20], [sflag:$0x1] =	stream.indirect_vreg.gather [hbm4b:s10+s17], $0x80, v8, vm0, $0xb8;
	[tilespmem:$0x18680] =	vst v63  }
0x40: {  	s19 =	simm.s32 $0x4880  }
0x41: {  	[tilespmem:s19], [sflag:$0x1] =	stream.indirect_vreg.gather [hbm4b:s2+s17], $0x80, v7, vm0, $0xb8;
	[tilespmem:$0x18680] =	vst v63  }
0x42: {  	s20 =	simm.s32 $0x5080  }
0x43: {  	[tilespmem:s20], [sflag:$0x1] =	stream.indirect_vreg.gather [hbm4b:s9+s17], $0x80, v7, vm0, $0xb8;
	[tilespmem:$0x18680] =	vst v63  }
0x44: {  	s19 =	simm.s32 $0x5880  }
0x45: {  	[tilespmem:s19], [sflag:$0x1] =	stream.indirect_vreg.gather [hbm4b:s10+s17], $0x80, v7, vm0, $0xb8;
	[tilespmem:$0x18680] =	vst v63  }
0x46: {  	v7 =	vld [tilespmem:$0x20];
	_ =	sdelay $0x4  }
0x47: {  	v8 =	vshrl.u32 v7, $0x3  }
0x48: {  	v8 =	vmul.u32 $0x30, v8  }
0x49: {  	v7 =	vand.u32 $0x7, v7  }
0x4a: {  	v7 =	vor.u32 v7, v8  }
0x4b: {  	v8 =	vperm.xlane v7, v0;
	_ =	sdelay $0x1  }
0x4c: {  	v8 =	vadd.s32 v1, v8;
	_ =	sdelay $0x3  }
0x4d: {  	s20 =	simm.s32 $0x6080;
	v7 =	vperm.xlane v7, v2  }
0x4e: {  	[tilespmem:s20], [sflag:$0x1] =	stream.indirect_vreg.gather [hbm4b:s2+s17], $0x80, v8, vm0, $0xb8;
	[tilespmem:$0x18680] =	vst v63  }
0x4f: {  	s19 =	simm.s32 $0x6880;
	v7 =	vadd.s32 v1, v7  }
0x50: {  	[tilespmem:s19], [sflag:$0x1] =	stream.indirect_vreg.gather [hbm4b:s9+s17], $0x80, v8, vm0, $0xb8;
	[tilespmem:$0x18680] =	vst v63  }
0x51: {  	s20 =	simm.s32 $0x7080  }
0x52: {  	[tilespmem:s20], [sflag:$0x1] =	stream.indirect_vreg.gather [hbm4b:s10+s17], $0x80, v8, vm0, $0xb8;
	[tilespmem:$0x18680] =	vst v63  }
0x53: {  	s19 =	simm.s32 $0x7880  }
0x54: {  	[tilespmem:s19], [sflag:$0x1] =	stream.indirect_vreg.gather [hbm4b:s2+s17], $0x80, v7, vm0, $0xb8;
	[tilespmem:$0x18680] =	vst v63  }
0x55: {  	s20 =	simm.s32 $0x8080  }
0x56: {  	[tilespmem:s20], [sflag:$0x1] =	stream.indirect_vreg.gather [hbm4b:s9+s17], $0x80, v7, vm0, $0xb8;
	[tilespmem:$0x18680] =	vst v63  }
0x57: {  	s19 =	simm.s32 $0x8880  }
0x58: {  	[tilespmem:s19], [sflag:$0x1] =	stream.indirect_vreg.gather [hbm4b:s10+s17], $0x80, v7, vm0, $0xb8;
	[tilespmem:$0x18680] =	vst v63  }
0x59: {  	v7 =	vld [tilespmem:$0x30];
	_ =	sdelay $0x4  }
0x5a: {  	v8 =	vshrl.u32 v7, $0x3  }
0x5b: {  	v8 =	vmul.u32 $0x30, v8  }
0x5c: {  	v7 =	vand.u32 $0x7, v7  }
0x5d: {  	v7 =	vor.u32 v7, v8  }
0x5e: {  	v8 =	vperm.xlane v7, v0;
	_ =	sdelay $0x1  }
0x5f: {  	v8 =	vadd.s32 v1, v8;
	_ =	sdelay $0x3  }
0x60: {  	s20 =	simm.s32 $0x9080;
	v7 =	vperm.xlane v7, v2  }
0x61: {  	[tilespmem:s20], [sflag:$0x1] =	stream.indirect_vreg.gather [hbm4b:s2+s17], $0x80, v8, vm0, $0xb8;
	[tilespmem:$0x18680] =	vst v63  }
0x62: {  	s19 =	simm.s32 $0x9880;
	v7 =	vadd.s32 v1, v7  }
0x63: {  	[tilespmem:s19], [sflag:$0x1] =	stream.indirect_vreg.gather [hbm4b:s9+s17], $0x80, v8, vm0, $0xb8;
	[tilespmem:$0x18680] =	vst v63  }
0x64: {  	s20 =	simm.s32 $0xA080  }
0x65: {  	[tilespmem:s20], [sflag:$0x1] =	stream.indirect_vreg.gather [hbm4b:s10+s17], $0x80, v8, vm0, $0xb8;
	[tilespmem:$0x18680] =	vst v63  }
0x66: {  	s19 =	simm.s32 $0xA880  }
0x67: {  	[tilespmem:s19], [sflag:$0x1] =	stream.indirect_vreg.gather [hbm4b:s2+s17], $0x80, v7, vm0, $0xb8;
	[tilespmem:$0x18680] =	vst v63  }
0x68: {  	s20 =	simm.s32 $0xB080  }
0x69: {  	[tilespmem:s20], [sflag:$0x1] =	stream.indirect_vreg.gather [hbm4b:s9+s17], $0x80, v7, vm0, $0xb8;
	[tilespmem:$0x18680] =	vst v63  }
0x6a: {  	s19 =	simm.s32 $0xB880  }
0x6b: {  	[tilespmem:s19], [sflag:$0x1] =	stream.indirect_vreg.gather [hbm4b:s10+s17], $0x80, v7, vm0, $0xb8;
	[tilespmem:$0x18680] =	vst v63  }
0x6c: {  	v7 =	vld [tilespmem:$0x40];
	_ =	sdelay $0x4  }
0x6d: {  	v8 =	vshrl.u32 v7, $0x3  }
0x6e: {  	v8 =	vmul.u32 $0x30, v8  }
0x6f: {  	v7 =	vand.u32 $0x7, v7  }
0x70: {  	v7 =	vor.u32 v7, v8  }
0x71: {  	v8 =	vperm.xlane v7, v0;
	_ =	sdelay $0x1  }
0x72: {  	v8 =	vadd.s32 v1, v8;
	_ =	sdelay $0x3  }
0x73: {  	s20 =	simm.s32 $0xC080;
	v7 =	vperm.xlane v7, v2  }
0x74: {  	[tilespmem:s20], [sflag:$0x1] =	stream.indirect_vreg.gather [hbm4b:s2+s17], $0x80, v8, vm0, $0xb8;
	[tilespmem:$0x18680] =	vst v63  }
0x75: {  	s19 =	simm.s32 $0xC880;
	v7 =	vadd.s32 v1, v7  }
0x76: {  	[tilespmem:s19], [sflag:$0x1] =	stream.indirect_vreg.gather [hbm4b:s9+s17], $0x80, v8, vm0, $0xb8;
	[tilespmem:$0x18680] =	vst v63  }
0x77: {  	s20 =	simm.s32 $0xD080  }
0x78: {  	[tilespmem:s20], [sflag:$0x1] =	stream.indirect_vreg.gather [hbm4b:s10+s17], $0x80, v8, vm0, $0xb8;
	[tilespmem:$0x18680] =	vst v63  }
0x79: {  	s19 =	simm.s32 $0xD880  }
0x7a: {  	[tilespmem:s19], [sflag:$0x1] =	stream.indirect_vreg.gather [hbm4b:s2+s17], $0x80, v7, vm0, $0xb8;
	[tilespmem:$0x18680] =	vst v63  }
0x7b: {  	s20 =	simm.s32 $0xE080  }
0x7c: {  	[tilespmem:s20], [sflag:$0x1] =	stream.indirect_vreg.gather [hbm4b:s9+s17], $0x80, v7, vm0, $0xb8;
	[tilespmem:$0x18680] =	vst v63  }
0x7d: {  	s19 =	simm.s32 $0xE880  }
0x7e: {  	[tilespmem:s19], [sflag:$0x1] =	stream.indirect_vreg.gather [hbm4b:s10+s17], $0x80, v7, vm0, $0xb8;
	[tilespmem:$0x18680] =	vst v63  }
0x7f: {  	v7 =	vld [tilespmem:$0x50];
	_ =	sdelay $0x4  }
0x80: {  	v8 =	vshrl.u32 v7, $0x3  }
0x81: {  	v8 =	vmul.u32 $0x30, v8  }
0x82: {  	v7 =	vand.u32 $0x7, v7  }
0x83: {  	v7 =	vor.u32 v7, v8  }
0x84: {  	v8 =	vperm.xlane v7, v0;
	_ =	sdelay $0x1  }
0x85: {  	v8 =	vadd.s32 v1, v8;
	_ =	sdelay $0x3  }
0x86: {  	s20 =	simm.s32 $0xF080;
	v7 =	vperm.xlane v7, v2  }
0x87: {  	[tilespmem:s20], [sflag:$0x1] =	stream.indirect_vreg.gather [hbm4b:s2+s17], $0x80, v8, vm0, $0xb8;
	[tilespmem:$0x18680] =	vst v63  }
0x88: {  	v7 =	vadd.s32 v1, v7  }
0x89: {  	[tilespmem:s22], [sflag:$0x1] =	stream.indirect_vreg.gather [hbm4b:s9+s17], $0x80, v8, vm0, $0xb8;
	[tilespmem:$0x18680] =	vst v63  }
0x8a: {  	_ = 	snop  }
0x8b: {  	[tilespmem:s23], [sflag:$0x1] =	stream.indirect_vreg.gather [hbm4b:s10+s17], $0x80, v8, vm0, $0xb8;
	[tilespmem:$0x18680] =	vst v63  }
0x8c: {  	_ = 	snop  }
0x8d: {  	[tilespmem:s24], [sflag:$0x1] =	stream.indirect_vreg.gather [hbm4b:s2+s17], $0x80, v7, vm0, $0xb8;
	[tilespmem:$0x18680] =	vst v63  }
0x8e: {  	_ = 	snop  }
0x8f: {  	[tilespmem:s25], [sflag:$0x1] =	stream.indirect_vreg.gather [hbm4b:s9+s17], $0x80, v7, vm0, $0xb8;
	[tilespmem:$0x18680] =	vst v63  }
0x90: {  	_ = 	snop  }
0x91: {  	[tilespmem:s26], [sflag:$0x1] =	stream.indirect_vreg.gather [hbm4b:s10+s17], $0x80, v7, vm0, $0xb8;
	[tilespmem:$0x18680] =	vst v63  }
0x92: {  	v7 =	vld [tilespmem:$0x60];
	_ =	sdelay $0x4  }
0x93: {  	v8 =	vshrl.u32 v7, $0x3  }
0x94: {  	v8 =	vmul.u32 $0x30, v8  }
0x95: {  	v7 =	vand.u32 $0x7, v7  }
0x96: {  	v7 =	vor.u32 v7, v8  }
0x97: {  	v8 =	vperm.xlane v7, v0;
	_ =	sdelay $0x1  }
0x98: {  	v8 =	vadd.s32 v1, v8;
	_ =	sdelay $0x3  }
0x99: {  	v7 =	vperm.xlane v7, v2  }
0x9a: {  	[tilespmem:s28], [sflag:$0x1] =	stream.indirect_vreg.gather [hbm4b:s2+s17], $0x80, v8, vm0, $0xb8;
	[tilespmem:$0x18680] =	vst v63  }
0x9b: {  	v7 =	vadd.s32 v1, v7  }
0x9c: {  	[tilespmem:s29], [sflag:$0x1] =	stream.indirect_vreg.gather [hbm4b:s9+s17], $0x80, v8, vm0, $0xb8;
	[tilespmem:$0x18680] =	vst v63  }
0x9d: {  	_ = 	snop  }
0x9e: {  	[tilespmem:s30], [sflag:$0x1] =	stream.indirect_vreg.gather [hbm4b:s10+s17], $0x80, v8, vm0, $0xb8;
	[tilespmem:$0x18680] =	vst v63  }
0x9f: {  	_ = 	snop  }
0xa0: {  	[tilespmem:s31], [sflag:$0x1] =	stream.indirect_vreg.gather [hbm4b:s2+s17], $0x80, v7, vm0, $0xb8;
	[tilespmem:$0x18680] =	vst v63  }
0xa1: {  	_ = 	snop  }
0xa2: {  	[tilespmem:s0], [sflag:$0x1] =	stream.indirect_vreg.gather [hbm4b:s9+s17], $0x80, v7, vm0, $0xb8;
	[tilespmem:$0x18680] =	vst v63  }
0xa3: {  	_ = 	snop  }
0xa4: {  	[tilespmem:s7], [sflag:$0x1] =	stream.indirect_vreg.gather [hbm4b:s10+s17], $0x80, v7, vm0, $0xb8;
	[tilespmem:$0x18680] =	vst v63  }
0xa5: {  	v7 =	vld [tilespmem:$0x70];
	_ =	sdelay $0x4  }
0xa6: {  	v8 =	vshrl.u32 v7, $0x3  }
0xa7: {  	v8 =	vmul.u32 $0x30, v8  }
0xa8: {  	v7 =	vand.u32 $0x7, v7  }
0xa9: {  	v7 =	vor.u32 v7, v8  }
0xaa: {  	v8 =	vperm.xlane v7, v0;
	_ =	sdelay $0x1  }
0xab: {  	v8 =	vadd.s32 v1, v8;
	_ =	sdelay $0x3  }
0xac: {  	v7 =	vperm.xlane v7, v2  }
0xad: {  	[tilespmem:s3], [sflag:$0x1] =	stream.indirect_vreg.gather [hbm4b:s2+s17], $0x80, v8, vm0, $0xb8;
	[tilespmem:$0x18680] =	vst v63  }
0xae: {  	v7 =	vadd.s32 v1, v7  }
0xaf: {  	[tilespmem:s4], [sflag:$0x1] =	stream.indirect_vreg.gather [hbm4b:s9+s17], $0x80, v8, vm0, $0xb8;
	[tilespmem:$0x18680] =	vst v63  }
0xb0: {  	_ = 	snop  }
0xb1: {  	[tilespmem:s12], [sflag:$0x1] =	stream.indirect_vreg.gather [hbm4b:s10+s17], $0x80, v8, vm0, $0xb8;
	[tilespmem:$0x18680] =	vst v63  }
0xb2: {  	_ = 	snop  }
0xb3: {  	[tilespmem:s14], [sflag:$0x1] =	stream.indirect_vreg.gather [hbm4b:s2+s17], $0x80, v7, vm0, $0xb8;
	[tilespmem:$0x18680] =	vst v63  }
0xb4: {  	_ = 	snop  }
0xb5: {  	[tilespmem:s11], [sflag:$0x1] =	stream.indirect_vreg.gather [hbm4b:s9+s17], $0x80, v7, vm0, $0xb8;
	[tilespmem:$0x18680] =	vst v63  }
0xb6: {  	_ = 	snop  }
0xb7: {  	[tilespmem:s6], [sflag:$0x1] =	stream.indirect_vreg.gather [hbm4b:s10+s17], $0x80, v7, vm0, $0xb8;
	[tilespmem:$0x18680] =	vst v63  }
0xb8: {  	_ =	swait.ge [sflag:s1], $0x18000  }
0xb9: {  	[sflag:s1] =	ssyncset.done $0x0  }
0xba: {  	s18 =	simm.s32 $0x0;
	[sflag:s1] =	ssyncadd.s32 $0xFFFE8000  }
.LBB2_3:
0xbb: {  	s19 =	sshrl.u32 s18, $0x3  }
0xbc: {  	s19 =	smul.u32 $0x6000, s19;
	_ =	sdelay $0x1  }
0xbd: {  	s20 =	sand.u32 $0x380, s17;
	s19 =	sshra.s32 s19, $0x2  }
0xbe: {  	s19 =	sor.u32 s20, s19  }
0xbf: {  	v24 =	vld [tilespmem:s19+$0x80];
	_ =	sdelay $0x1  }
0xc0: {  	v23 =	vld [tilespmem:s19+$0x90];
	_ =	sdelay $0x1  }
0xc1: {  	v22 =	vld [tilespmem:s19+$0xA0]  }
0xc2: {  	v7 =	vadd.f32 $0.0e+00, v24  }
0xc3: {  	v21 =	vld [tilespmem:s19+$0xB0]  }
0xc4: {  	v8 =	vmul.f32 v24, v24;
	v9 =	vmul.f32 v23, v23;
	v7 =	vadd.f32 v23, v7  }
0xc5: {  	v20 =	vld [tilespmem:s19+$0xC0]  }
0xc6: {  	v14 =	vmul.f32 v22, v22;
	v8 =	vadd.f32 v9, v8;
	v7 =	vadd.f32 v22, v7  }
0xc7: {  	v19 =	vld [tilespmem:s19+$0xD0]  }
0xc8: {  	v15 =	vmul.f32 v21, v21;
	v8 =	vadd.f32 v14, v8;
	v7 =	vadd.f32 v21, v7  }
0xc9: {  	v18 =	vld [tilespmem:s19+$0xE0]  }
0xca: {  	v25 =	vmul.f32 v20, v20;
	v8 =	vadd.f32 v15, v8;
	v7 =	vadd.f32 v20, v7  }
0xcb: {  	v17 =	vld [tilespmem:s19+$0xF0]  }
0xcc: {  	v26 =	vmul.f32 v19, v19;
	v8 =	vadd.f32 v25, v8;
	v7 =	vadd.f32 v19, v7  }
0xcd: {  	v16 =	vld [tilespmem:s19+$0x480]  }
0xce: {  	v27 =	vmul.f32 v18, v18;
	v8 =	vadd.f32 v26, v8;
	v7 =	vadd.f32 v18, v7  }
0xcf: {  	v15 =	vld [tilespmem:s19+$0x490]  }
0xd0: {  	v28 =	vmul.f32 v17, v17;
	v8 =	vadd.f32 v27, v8;
	v7 =	vadd.f32 v17, v7  }
0xd1: {  	v14 =	vld [tilespmem:s19+$0x4A0]  }
0xd2: {  	v29 =	vmul.f32 v16, v16;
	v8 =	vadd.f32 v28, v8;
	v7 =	vadd.f32 v16, v7  }
0xd3: {  	v13 =	vld [tilespmem:s19+$0x4B0]  }
0xd4: {  	v30 =	vmul.f32 v15, v15;
	v8 =	vadd.f32 v29, v8;
	v7 =	vadd.f32 v15, v7  }
0xd5: {  	v12 =	vld [tilespmem:s19+$0x4C0]  }
0xd6: {  	v31 =	vmul.f32 v14, v14;
	v8 =	vadd.f32 v30, v8;
	v7 =	vadd.f32 v14, v7  }
0xd7: {  	v11 =	vld [tilespmem:s19+$0x4D0]  }
0xd8: {  	v32 =	vmul.f32 v13, v13;
	v8 =	vadd.f32 v31, v8;
	v7 =	vadd.f32 v13, v7  }
0xd9: {  	v10 =	vld [tilespmem:s19+$0x4E0]  }
0xda: {  	v25 =	vmul.f32 v12, v12;
	v8 =	vadd.f32 v32, v8;
	v7 =	vadd.f32 v12, v7  }
0xdb: {  	v9 =	vld [tilespmem:s19+$0x4F0]  }
0xdc: {  	v33 =	vmul.f32 v11, v11;
	v8 =	vadd.f32 v25, v8;
	v7 =	vadd.f32 v11, v7  }
0xdd: {  	v26 =	vld [tilespmem:s19+$0x880]  }
0xde: {  	v34 =	vmul.f32 v10, v10;
	v8 =	vadd.f32 v33, v8;
	v7 =	vadd.f32 v10, v7  }
0xdf: {  	v27 =	vld [tilespmem:s19+$0x890]  }
0xe0: {  	v35 =	vmul.f32 v9, v9;
	v8 =	vadd.f32 v34, v8;
	v7 =	vadd.f32 v9, v7  }
0xe1: {  	v28 =	vld [tilespmem:s19+$0x8A0]  }
0xe2: {  	v36 =	vmul.f32 v26, v26;
	v8 =	vadd.f32 v35, v8;
	v7 =	vadd.f32 v26, v7  }
0xe3: {  	v37 =	vld [tilespmem:s19+$0x8B0]  }
0xe4: {  	v38 =	vmul.f32 v27, v27;
	v8 =	vadd.f32 v36, v8;
	v7 =	vadd.f32 v27, v7  }
0xe5: {  	v39 =	vld [tilespmem:s19+$0x8C0]  }
0xe6: {  	v40 =	vmul.f32 v28, v28;
	v8 =	vadd.f32 v38, v8;
	v7 =	vadd.f32 v28, v7  }
0xe7: {  	v41 =	vld [tilespmem:s19+$0x8D0]  }
0xe8: {  	v42 =	vmul.f32 v37, v37;
	v8 =	vadd.f32 v40, v8;
	v7 =	vadd.f32 v37, v7  }
0xe9: {  	v43 =	vld [tilespmem:s19+$0x8E0]  }
0xea: {  	v44 =	vmul.f32 v39, v39;
	v8 =	vadd.f32 v42, v8;
	v7 =	vadd.f32 v39, v7  }
0xeb: {  	v45 =	vld [tilespmem:s19+$0x8F0]  }
0xec: {  	v46 =	vmul.f32 v41, v41;
	v8 =	vadd.f32 v44, v8;
	v7 =	vadd.f32 v41, v7  }
0xed: {  	v47 =	vld [tilespmem:s19+$0xC80]  }
0xee: {  	v48 =	vmul.f32 v43, v43;
	v8 =	vadd.f32 v46, v8;
	v7 =	vadd.f32 v43, v7  }
0xef: {  	v49 =	vld [tilespmem:s19+$0xC90]  }
0xf0: {  	v50 =	vmul.f32 v45, v45;
	v8 =	vadd.f32 v48, v8;
	v7 =	vadd.f32 v45, v7  }
0xf1: {  	v51 =	vld [tilespmem:s19+$0xCA0]  }
0xf2: {  	v52 =	vmul.f32 v47, v47;
	v8 =	vadd.f32 v50, v8;
	v7 =	vadd.f32 v47, v7  }
0xf3: {  	v53 =	vld [tilespmem:s19+$0xCB0]  }
0xf4: {  	v54 =	vmul.f32 v49, v49;
	v8 =	vadd.f32 v52, v8;
	v7 =	vadd.f32 v49, v7  }
0xf5: {  	v55 =	vld [tilespmem:s19+$0xCC0]  }
0xf6: {  	v56 =	vmul.f32 v51, v51;
	v8 =	vadd.f32 v54, v8;
	v7 =	vadd.f32 v51, v7  }
0xf7: {  	v57 =	vld [tilespmem:s19+$0xCD0]  }
0xf8: {  	v58 =	vmul.f32 v53, v53;
	v8 =	vadd.f32 v56, v8;
	v7 =	vadd.f32 v53, v7  }
0xf9: {  	v59 =	vld [tilespmem:s19+$0xCE0]  }
0xfa: {  	v60 =	vmul.f32 v55, v55;
	v8 =	vadd.f32 v58, v8;
	v7 =	vadd.f32 v55, v7  }
0xfb: {  	v61 =	vld [tilespmem:s19+$0xCF0]  }
0xfc: {  	v62 =	vmul.f32 v57, v57;
	v8 =	vadd.f32 v60, v8;
	v7 =	vadd.f32 v57, v7  }
0xfd: {  	v63 =	vld [tilespmem:s19+$0x1080]  }
0xfe: {  	v32 =	vmul.f32 v59, v59;
	v8 =	vadd.f32 v62, v8;
	v7 =	vadd.f32 v59, v7  }
0xff: {  	v33 =	vld [tilespmem:s19+$0x1090]  }
0x100: {  	v34 =	vmul.f32 v61, v61;
	v8 =	vadd.f32 v32, v8;
	v7 =	vadd.f32 v61, v7  }
0x101: {  	v35 =	vld [tilespmem:s19+$0x10A0]  }
0x102: {  	v36 =	vmul.f32 v63, v63;
	v8 =	vadd.f32 v34, v8;
	v7 =	vadd.f32 v63, v7  }
0x103: {  	v37 =	vld [tilespmem:s19+$0x10B0]  }
0x104: {  	v38 =	vmul.f32 v33, v33;
	v8 =	vadd.f32 v36, v8;
	v7 =	vadd.f32 v33, v7  }
0x105: {  	v39 =	vld [tilespmem:s19+$0x10C0]  }
0x106: {  	v40 =	vmul.f32 v35, v35;
	v8 =	vadd.f32 v38, v8;
	v7 =	vadd.f32 v35, v7  }
0x107: {  	v41 =	vld [tilespmem:s19+$0x10D0]  }
0x108: {  	v42 =	vmul.f32 v37, v37;
	v8 =	vadd.f32 v40, v8;
	v7 =	vadd.f32 v37, v7  }
0x109: {  	v43 =	vld [tilespmem:s19+$0x10E0]  }
0x10a: {  	v44 =	vmul.f32 v39, v39;
	v8 =	vadd.f32 v42, v8;
	v7 =	vadd.f32 v39, v7  }
0x10b: {  	v45 =	vld [tilespmem:s19+$0x10F0]  }
0x10c: {  	v46 =	vmul.f32 v41, v41;
	v8 =	vadd.f32 v44, v8;
	v7 =	vadd.f32 v41, v7  }
0x10d: {  	v47 =	vld [tilespmem:s19+$0x1480]  }
0x10e: {  	v48 =	vmul.f32 v43, v43;
	v8 =	vadd.f32 v46, v8;
	v7 =	vadd.f32 v43, v7  }
0x10f: {  	v49 =	vld [tilespmem:s19+$0x1490]  }
0x110: {  	v50 =	vmul.f32 v45, v45;
	v8 =	vadd.f32 v48, v8;
	v7 =	vadd.f32 v45, v7  }
0x111: {  	v51 =	vld [tilespmem:s19+$0x14A0]  }
0x112: {  	v52 =	vmul.f32 v47, v47;
	v8 =	vadd.f32 v50, v8;
	v7 =	vadd.f32 v47, v7  }
0x113: {  	v53 =	vld [tilespmem:s19+$0x14B0]  }
0x114: {  	v54 =	vmul.f32 v49, v49;
	v8 =	vadd.f32 v52, v8;
	v7 =	vadd.f32 v49, v7  }
0x115: {  	v55 =	vld [tilespmem:s19+$0x14C0]  }
0x116: {  	v56 =	vmul.f32 v51, v51;
	v8 =	vadd.f32 v54, v8;
	v7 =	vadd.f32 v51, v7  }
0x117: {  	v57 =	vld [tilespmem:s19+$0x14D0]  }
0x118: {  	v58 =	vmul.f32 v53, v53;
	v8 =	vadd.f32 v56, v8;
	v7 =	vadd.f32 v53, v7  }
0x119: {  	v59 =	vld [tilespmem:s19+$0x14E0]  }
0x11a: {  	v60 =	vmul.f32 v55, v55;
	v8 =	vadd.f32 v58, v8;
	v7 =	vadd.f32 v55, v7  }
0x11b: {  	v61 =	vld [tilespmem:s19+$0x14F0]  }
0x11c: {  	v62 =	vmul.f32 v57, v57;
	v8 =	vadd.f32 v60, v8;
	v7 =	vadd.f32 v57, v7;
	_ =	sdelay $0x1  }
0x11d: {  	v63 =	vmul.f32 v59, v59;
	v8 =	vadd.f32 v62, v8;
	v7 =	vadd.f32 v59, v7;
	_ =	sdelay $0x1  }
0x11e: {  	v28 =	vmul.f32 v61, v61;
	v8 =	vadd.f32 v63, v8;
	v7 =	vadd.f32 v61, v7;
	_ =	sdelay $0x1  }
0x11f: {  	v8 =	vadd.f32 v28, v8;
	v29 =	vperm.xlane v7, v3;
	_ =	sdelay $0x1  }
0x120: {  	v30 =	vperm.xlane v8, v3;
	v7 =	vadd.f32 v29, v7;
	_ =	sdelay $0x1  }
0x121: {  	v8 =	vadd.f32 v30, v8;
	v31 =	vperm.xlane v7, v4;
	_ =	sdelay $0x1  }
0x122: {  	v25 =	vperm.xlane v8, v4;
	v7 =	vadd.f32 v31, v7;
	_ =	sdelay $0x1  }
0x123: {  	v8 =	vadd.f32 v25, v8;
	v26 =	vperm.xlane v7, v5;
	_ =	sdelay $0x1  }
0x124: {  	v25 =	vperm.xlane v8, v5;
	v7 =	vadd.f32 v26, v7;
	_ =	sdelay $0x1  }
0x125: {  	v8 =	vadd.f32 v25, v8;
	v26 =	vperm.xlane v7, v6;
	_ =	sdelay $0x1  }
0x126: {  	v25 =	vperm.xlane v8, v6;
	v7 =	vadd.f32 v26, v7;
	_ =	sdelay $0x1  }
0x127: {  	v8 =	vadd.f32 v25, v8;
	v7 =	vmul.f32 $1.302083370e-03, v7;
	_ =	sdelay $0x1  }
0x128: {  	v8 =	vmul.f32 $1.302083370e-03, v8;
	v32 =	vmul.f32 v7, v7;
	_ =	sdelay $0x1  }
0x129: {  	v8 =	vsub.f32 v8, v32;
	_ =	sdelay $0x1  }
0x12a: {  	v8 =	vadd.f32 $1.302083290e-15, v8;
	_ =	sdelay $0x1  }
0x12b: {  	v33 =	vshra.s32 v8, $0x1;
	v8 =	vmul.f32 $5.000000000e-01, v8  }
0x12c: {  	v25 =	vsub.s32 $0x5F3759DF, v33  }
0x12d: {  	v34 =	vmul.f32 v25, v8;
	_ =	sdelay $0x1  }
0x12e: {  	v26 =	vmul.f32 v25, v34;
	_ =	sdelay $0x1  }
0x12f: {  	v26 =	vsub.f32 $1.500000000e+00, v26;
	_ =	sdelay $0x1  }
0x130: {  	v25 =	vmul.f32 v25, v26;
	_ =	sdelay $0x1  }
0x131: {  	v26 =	vmul.f32 v25, v8;
	_ =	sdelay $0x1  }
0x132: {  	v26 =	vmul.f32 v26, v25;
	_ =	sdelay $0x1  }
0x133: {  	v26 =	vsub.f32 $1.500000000e+00, v26;
	_ =	sdelay $0x1  }
0x134: {  	v25 =	vmul.f32 v26, v25;
	_ =	sdelay $0x1  }
0x135: {  	v8 =	vmul.f32 v25, v8;
	_ =	sdelay $0x1  }
0x136: {  	v8 =	vmul.f32 v8, v25;
	_ =	sdelay $0x1  }
0x137: {  	v8 =	vsub.f32 $1.500000000e+00, v8  }
0x138: {  	v35 =	vld [tilespmem:$0x18080]  }
0x139: {  	v24 =	vsub.f32 v24, v7;
	v8 =	vmul.f32 v8, v25  }
0x13a: {  	v36 =	vld [tilespmem:$0x18380]  }
0x13b: {  	v24 =	vmul.f32 v8, v24;
	_ =	sdelay $0x1  }
0x13c: {  	v24 =	vmul.f32 v24, v35;
	_ =	sdelay $0x1  }
0x13d: {  	v24 =	vadd.f32 v24, v36;
	_ =	sdelay $0x1  }
0x13e: {  	[tilespmem:s19+$0x80] =	vst v24  }
0x13f: {  	v24 =	vld [tilespmem:$0x18090]  }
0x140: {  	v23 =	vsub.f32 v23, v7  }
0x141: {  	v37 =	vld [tilespmem:$0x18390]  }
0x142: {  	v23 =	vmul.f32 v8, v23;
	_ =	sdelay $0x1  }
0x143: {  	v23 =	vmul.f32 v23, v24;
	_ =	sdelay $0x1  }
0x144: {  	v23 =	vadd.f32 v23, v37;
	_ =	sdelay $0x1  }
0x145: {  	[tilespmem:s19+$0x90] =	vst v23  }
0x146: {  	v23 =	vld [tilespmem:$0x180A0]  }
0x147: {  	v22 =	vsub.f32 v22, v7  }
0x148: {  	v38 =	vld [tilespmem:$0x183A0]  }
0x149: {  	v22 =	vmul.f32 v8, v22;
	_ =	sdelay $0x1  }
0x14a: {  	v22 =	vmul.f32 v22, v23;
	_ =	sdelay $0x1  }
0x14b: {  	v22 =	vadd.f32 v22, v38;
	_ =	sdelay $0x1  }
0x14c: {  	[tilespmem:s19+$0xA0] =	vst v22  }
0x14d: {  	v22 =	vld [tilespmem:$0x180B0]  }
0x14e: {  	v21 =	vsub.f32 v21, v7  }
0x14f: {  	v39 =	vld [tilespmem:$0x183B0]  }
0x150: {  	v21 =	vmul.f32 v8, v21;
	_ =	sdelay $0x1  }
0x151: {  	v21 =	vmul.f32 v21, v22;
	_ =	sdelay $0x1  }
0x152: {  	v21 =	vadd.f32 v21, v39;
	_ =	sdelay $0x1  }
0x153: {  	[tilespmem:s19+$0xB0] =	vst v21  }
0x154: {  	v21 =	vld [tilespmem:$0x180C0]  }
0x155: {  	v20 =	vsub.f32 v20, v7  }
0x156: {  	v40 =	vld [tilespmem:$0x183C0]  }
0x157: {  	v20 =	vmul.f32 v8, v20;
	_ =	sdelay $0x1  }
0x158: {  	v20 =	vmul.f32 v20, v21;
	_ =	sdelay $0x1  }
0x159: {  	v20 =	vadd.f32 v20, v40;
	_ =	sdelay $0x1  }
0x15a: {  	[tilespmem:s19+$0xC0] =	vst v20  }
0x15b: {  	v20 =	vld [tilespmem:$0x180D0]  }
0x15c: {  	v19 =	vsub.f32 v19, v7  }
0x15d: {  	v41 =	vld [tilespmem:$0x183D0]  }
0x15e: {  	v19 =	vmul.f32 v8, v19;
	_ =	sdelay $0x1  }
0x15f: {  	v19 =	vmul.f32 v19, v20;
	_ =	sdelay $0x1  }
0x160: {  	v19 =	vadd.f32 v19, v41;
	_ =	sdelay $0x1  }
0x161: {  	[tilespmem:s19+$0xD0] =	vst v19  }
0x162: {  	v19 =	vld [tilespmem:$0x180E0]  }
0x163: {  	v18 =	vsub.f32 v18, v7  }
0x164: {  	v42 =	vld [tilespmem:$0x183E0]  }
0x165: {  	v18 =	vmul.f32 v8, v18;
	_ =	sdelay $0x1  }
0x166: {  	v18 =	vmul.f32 v18, v19;
	_ =	sdelay $0x1  }
0x167: {  	v18 =	vadd.f32 v18, v42;
	_ =	sdelay $0x1  }
0x168: {  	[tilespmem:s19+$0xE0] =	vst v18  }
0x169: {  	v18 =	vld [tilespmem:$0x180F0]  }
0x16a: {  	v17 =	vsub.f32 v17, v7  }
0x16b: {  	v43 =	vld [tilespmem:$0x183F0]  }
0x16c: {  	v17 =	vmul.f32 v8, v17;
	_ =	sdelay $0x1  }
0x16d: {  	v17 =	vmul.f32 v18, v17;
	_ =	sdelay $0x1  }
0x16e: {  	v17 =	vadd.f32 v43, v17;
	_ =	sdelay $0x1  }
0x16f: {  	[tilespmem:s19+$0xF0] =	vst v17  }
0x170: {  	v17 =	vld [tilespmem:$0x18100]  }
0x171: {  	v16 =	vsub.f32 v16, v7  }
0x172: {  	v44 =	vld [tilespmem:$0x18400]  }
0x173: {  	v16 =	vmul.f32 v8, v16;
	_ =	sdelay $0x1  }
0x174: {  	v16 =	vmul.f32 v17, v16;
	_ =	sdelay $0x1  }
0x175: {  	v16 =	vadd.f32 v44, v16;
	_ =	sdelay $0x1  }
0x176: {  	[tilespmem:s19+$0x480] =	vst v16  }
0x177: {  	v16 =	vld [tilespmem:$0x18110]  }
0x178: {  	v15 =	vsub.f32 v15, v7  }
0x179: {  	v45 =	vld [tilespmem:$0x18410]  }
0x17a: {  	v15 =	vmul.f32 v8, v15;
	_ =	sdelay $0x1  }
0x17b: {  	v15 =	vmul.f32 v16, v15;
	_ =	sdelay $0x1  }
0x17c: {  	v15 =	vadd.f32 v45, v15;
	_ =	sdelay $0x1  }
0x17d: {  	[tilespmem:s19+$0x490] =	vst v15  }
0x17e: {  	v15 =	vld [tilespmem:$0x18120]  }
0x17f: {  	v14 =	vsub.f32 v14, v7  }
0x180: {  	v46 =	vld [tilespmem:$0x18420]  }
0x181: {  	v14 =	vmul.f32 v8, v14;
	_ =	sdelay $0x1  }
0x182: {  	v14 =	vmul.f32 v15, v14;
	_ =	sdelay $0x1  }
0x183: {  	v14 =	vadd.f32 v46, v14;
	_ =	sdelay $0x1  }
0x184: {  	[tilespmem:s19+$0x4A0] =	vst v14  }
0x185: {  	v14 =	vld [tilespmem:$0x18130]  }
0x186: {  	v13 =	vsub.f32 v13, v7  }
0x187: {  	v47 =	vld [tilespmem:$0x18430]  }
0x188: {  	v13 =	vmul.f32 v8, v13;
	_ =	sdelay $0x1  }
0x189: {  	v13 =	vmul.f32 v14, v13;
	_ =	sdelay $0x1  }
0x18a: {  	v13 =	vadd.f32 v47, v13;
	_ =	sdelay $0x1  }
0x18b: {  	[tilespmem:s19+$0x4B0] =	vst v13  }
0x18c: {  	v13 =	vld [tilespmem:$0x18140]  }
0x18d: {  	v12 =	vsub.f32 v12, v7  }
0x18e: {  	v48 =	vld [tilespmem:$0x18440]  }
0x18f: {  	v12 =	vmul.f32 v8, v12;
	_ =	sdelay $0x1  }
0x190: {  	v12 =	vmul.f32 v13, v12;
	_ =	sdelay $0x1  }
0x191: {  	v12 =	vadd.f32 v48, v12;
	_ =	sdelay $0x1  }
0x192: {  	[tilespmem:s19+$0x4C0] =	vst v12  }
0x193: {  	v12 =	vld [tilespmem:$0x18150]  }
0x194: {  	v11 =	vsub.f32 v11, v7  }
0x195: {  	v49 =	vld [tilespmem:$0x18450]  }
0x196: {  	v11 =	vmul.f32 v8, v11;
	_ =	sdelay $0x1  }
0x197: {  	v11 =	vmul.f32 v12, v11;
	_ =	sdelay $0x1  }
0x198: {  	v11 =	vadd.f32 v49, v11;
	_ =	sdelay $0x1  }
0x199: {  	[tilespmem:s19+$0x4D0] =	vst v11  }
0x19a: {  	v11 =	vld [tilespmem:$0x18160]  }
0x19b: {  	v10 =	vsub.f32 v10, v7  }
0x19c: {  	v50 =	vld [tilespmem:$0x18460]  }
0x19d: {  	v10 =	vmul.f32 v8, v10;
	_ =	sdelay $0x1  }
0x19e: {  	v10 =	vmul.f32 v11, v10;
	_ =	sdelay $0x1  }
0x19f: {  	v10 =	vadd.f32 v50, v10;
	_ =	sdelay $0x1  }
0x1a0: {  	[tilespmem:s19+$0x4E0] =	vst v10  }
0x1a1: {  	v10 =	vld [tilespmem:$0x18170]  }
0x1a2: {  	v9 =	vsub.f32 v9, v7  }
0x1a3: {  	v51 =	vld [tilespmem:$0x18470]  }
0x1a4: {  	v9 =	vmul.f32 v8, v9;
	_ =	sdelay $0x1  }
0x1a5: {  	v9 =	vmul.f32 v10, v9  }
0x1a6: {  	v52 =	vld [tilespmem:s19+$0x880]  }
0x1a7: {  	v9 =	vadd.f32 v51, v9;
	_ =	sdelay $0x1  }
0x1a8: {  	[tilespmem:s19+$0x4F0] =	vst v9  }
0x1a9: {  	v9 =	vld [tilespmem:$0x18180]  }
0x1aa: {  	v10 =	vsub.f32 v52, v7  }
0x1ab: {  	v53 =	vld [tilespmem:$0x18480]  }
0x1ac: {  	v10 =	vmul.f32 v10, v8;
	_ =	sdelay $0x1  }
0x1ad: {  	v9 =	vmul.f32 v10, v9  }
0x1ae: {  	v54 =	vld [tilespmem:s19+$0x890]  }
0x1af: {  	v9 =	vadd.f32 v9, v53;
	_ =	sdelay $0x1  }
0x1b0: {  	[tilespmem:s19+$0x880] =	vst v9  }
0x1b1: {  	v9 =	vld [tilespmem:$0x18190]  }
0x1b2: {  	v10 =	vsub.f32 v54, v7  }
0x1b3: {  	v55 =	vld [tilespmem:$0x18490]  }
0x1b4: {  	v10 =	vmul.f32 v10, v8;
	_ =	sdelay $0x1  }
0x1b5: {  	v9 =	vmul.f32 v10, v9  }
0x1b6: {  	v56 =	vld [tilespmem:s19+$0x8A0]  }
0x1b7: {  	v9 =	vadd.f32 v9, v55;
	_ =	sdelay $0x1  }
0x1b8: {  	[tilespmem:s19+$0x890] =	vst v9  }
0x1b9: {  	v9 =	vld [tilespmem:$0x181A0]  }
0x1ba: {  	v10 =	vsub.f32 v56, v7  }
0x1bb: {  	v57 =	vld [tilespmem:$0x184A0]  }
0x1bc: {  	v10 =	vmul.f32 v10, v8;
	_ =	sdelay $0x1  }
0x1bd: {  	v9 =	vmul.f32 v10, v9  }
0x1be: {  	v58 =	vld [tilespmem:s19+$0x8B0]  }
0x1bf: {  	v9 =	vadd.f32 v9, v57;
	_ =	sdelay $0x1  }
0x1c0: {  	[tilespmem:s19+$0x8A0] =	vst v9  }
0x1c1: {  	v9 =	vld [tilespmem:$0x181B0]  }
0x1c2: {  	v10 =	vsub.f32 v58, v7  }
0x1c3: {  	v59 =	vld [tilespmem:$0x184B0]  }
0x1c4: {  	v10 =	vmul.f32 v10, v8;
	_ =	sdelay $0x1  }
0x1c5: {  	v9 =	vmul.f32 v10, v9  }
0x1c6: {  	v60 =	vld [tilespmem:s19+$0x8C0]  }
0x1c7: {  	v9 =	vadd.f32 v9, v59;
	_ =	sdelay $0x1  }
0x1c8: {  	[tilespmem:s19+$0x8B0] =	vst v9  }
0x1c9: {  	v9 =	vld [tilespmem:$0x181C0]  }
0x1ca: {  	v10 =	vsub.f32 v60, v7  }
0x1cb: {  	v61 =	vld [tilespmem:$0x184C0]  }
0x1cc: {  	v10 =	vmul.f32 v10, v8;
	_ =	sdelay $0x1  }
0x1cd: {  	v9 =	vmul.f32 v10, v9  }
0x1ce: {  	v62 =	vld [tilespmem:s19+$0x8D0]  }
0x1cf: {  	v9 =	vadd.f32 v9, v61;
	_ =	sdelay $0x1  }
0x1d0: {  	[tilespmem:s19+$0x8C0] =	vst v9  }
0x1d1: {  	v9 =	vld [tilespmem:$0x181D0]  }
0x1d2: {  	v10 =	vsub.f32 v62, v7  }
0x1d3: {  	v63 =	vld [tilespmem:$0x184D0]  }
0x1d4: {  	v10 =	vmul.f32 v10, v8;
	_ =	sdelay $0x1  }
0x1d5: {  	v9 =	vmul.f32 v10, v9  }
0x1d6: {  	v12 =	vld [tilespmem:s19+$0x8E0]  }
0x1d7: {  	v9 =	vadd.f32 v9, v63;
	_ =	sdelay $0x1  }
0x1d8: {  	[tilespmem:s19+$0x8D0] =	vst v9  }
0x1d9: {  	v9 =	vld [tilespmem:$0x181E0]  }
0x1da: {  	v10 =	vsub.f32 v12, v7  }
0x1db: {  	v13 =	vld [tilespmem:$0x184E0]  }
0x1dc: {  	v10 =	vmul.f32 v10, v8;
	_ =	sdelay $0x1  }
0x1dd: {  	v9 =	vmul.f32 v10, v9  }
0x1de: {  	v14 =	vld [tilespmem:s19+$0x8F0]  }
0x1df: {  	v9 =	vadd.f32 v9, v13;
	_ =	sdelay $0x1  }
0x1e0: {  	[tilespmem:s19+$0x8E0] =	vst v9  }
0x1e1: {  	v9 =	vld [tilespmem:$0x181F0]  }
0x1e2: {  	v10 =	vsub.f32 v14, v7  }
0x1e3: {  	v15 =	vld [tilespmem:$0x184F0]  }
0x1e4: {  	v10 =	vmul.f32 v10, v8;
	_ =	sdelay $0x1  }
0x1e5: {  	v9 =	vmul.f32 v10, v9  }
0x1e6: {  	v16 =	vld [tilespmem:s19+$0xC80]  }
0x1e7: {  	v9 =	vadd.f32 v9, v15;
	_ =	sdelay $0x1  }
0x1e8: {  	[tilespmem:s19+$0x8F0] =	vst v9  }
0x1e9: {  	v9 =	vld [tilespmem:$0x18200]  }
0x1ea: {  	v10 =	vsub.f32 v16, v7  }
0x1eb: {  	v17 =	vld [tilespmem:$0x18500]  }
0x1ec: {  	v10 =	vmul.f32 v10, v8;
	_ =	sdelay $0x1  }
0x1ed: {  	v9 =	vmul.f32 v10, v9  }
0x1ee: {  	v18 =	vld [tilespmem:s19+$0xC90]  }
0x1ef: {  	v9 =	vadd.f32 v9, v17;
	_ =	sdelay $0x1  }
0x1f0: {  	[tilespmem:s19+$0xC80] =	vst v9  }
0x1f1: {  	v9 =	vld [tilespmem:$0x18210]  }
0x1f2: {  	v10 =	vsub.f32 v18, v7  }
0x1f3: {  	v19 =	vld [tilespmem:$0x18510]  }
0x1f4: {  	v10 =	vmul.f32 v10, v8;
	_ =	sdelay $0x1  }
0x1f5: {  	v9 =	vmul.f32 v10, v9  }
0x1f6: {  	v20 =	vld [tilespmem:s19+$0xCA0]  }
0x1f7: {  	v9 =	vadd.f32 v9, v19;
	_ =	sdelay $0x1  }
0x1f8: {  	[tilespmem:s19+$0xC90] =	vst v9  }
0x1f9: {  	v9 =	vld [tilespmem:$0x18220]  }
0x1fa: {  	v10 =	vsub.f32 v20, v7  }
0x1fb: {  	v21 =	vld [tilespmem:$0x18520]  }
0x1fc: {  	v10 =	vmul.f32 v10, v8;
	_ =	sdelay $0x1  }
0x1fd: {  	v9 =	vmul.f32 v10, v9  }
0x1fe: {  	v22 =	vld [tilespmem:s19+$0xCB0]  }
0x1ff: {  	v9 =	vadd.f32 v9, v21;
	_ =	sdelay $0x1  }
0x200: {  	[tilespmem:s19+$0xCA0] =	vst v9  }
0x201: {  	v9 =	vld [tilespmem:$0x18230]  }
0x202: {  	v10 =	vsub.f32 v22, v7  }
0x203: {  	v23 =	vld [tilespmem:$0x18530]  }
0x204: {  	v10 =	vmul.f32 v10, v8;
	_ =	sdelay $0x1  }
0x205: {  	v9 =	vmul.f32 v10, v9  }
0x206: {  	v24 =	vld [tilespmem:s19+$0xCC0]  }
0x207: {  	v9 =	vadd.f32 v9, v23;
	_ =	sdelay $0x1  }
0x208: {  	[tilespmem:s19+$0xCB0] =	vst v9  }
0x209: {  	v9 =	vld [tilespmem:$0x18240]  }
0x20a: {  	v10 =	vsub.f32 v24, v7  }
0x20b: {  	v25 =	vld [tilespmem:$0x18540]  }
0x20c: {  	v10 =	vmul.f32 v10, v8;
	_ =	sdelay $0x1  }
0x20d: {  	v9 =	vmul.f32 v10, v9  }
0x20e: {  	v26 =	vld [tilespmem:s19+$0xCD0]  }
0x20f: {  	v9 =	vadd.f32 v9, v25;
	_ =	sdelay $0x1  }
0x210: {  	[tilespmem:s19+$0xCC0] =	vst v9  }
0x211: {  	v9 =	vld [tilespmem:$0x18250]  }
0x212: {  	v10 =	vsub.f32 v26, v7  }
0x213: {  	v27 =	vld [tilespmem:$0x18550]  }
0x214: {  	v10 =	vmul.f32 v10, v8;
	_ =	sdelay $0x1  }
0x215: {  	v9 =	vmul.f32 v10, v9  }
0x216: {  	v28 =	vld [tilespmem:s19+$0xCE0]  }
0x217: {  	v9 =	vadd.f32 v9, v27;
	_ =	sdelay $0x1  }
0x218: {  	[tilespmem:s19+$0xCD0] =	vst v9  }
0x219: {  	v9 =	vld [tilespmem:$0x18260]  }
0x21a: {  	v10 =	vsub.f32 v28, v7  }
0x21b: {  	v29 =	vld [tilespmem:$0x18560]  }
0x21c: {  	v10 =	vmul.f32 v10, v8;
	_ =	sdelay $0x1  }
0x21d: {  	v9 =	vmul.f32 v10, v9  }
0x21e: {  	v30 =	vld [tilespmem:s19+$0xCF0]  }
0x21f: {  	v9 =	vadd.f32 v9, v29;
	_ =	sdelay $0x1  }
0x220: {  	[tilespmem:s19+$0xCE0] =	vst v9  }
0x221: {  	v9 =	vld [tilespmem:$0x18270]  }
0x222: {  	v10 =	vsub.f32 v30, v7  }
0x223: {  	v31 =	vld [tilespmem:$0x18570]  }
0x224: {  	v10 =	vmul.f32 v10, v8;
	_ =	sdelay $0x1  }
0x225: {  	v9 =	vmul.f32 v10, v9  }
0x226: {  	v32 =	vld [tilespmem:s19+$0x1080]  }
0x227: {  	v9 =	vadd.f32 v9, v31;
	_ =	sdelay $0x1  }
0x228: {  	[tilespmem:s19+$0xCF0] =	vst v9  }
0x229: {  	v9 =	vld [tilespmem:$0x18280]  }
0x22a: {  	v10 =	vsub.f32 v32, v7  }
0x22b: {  	v33 =	vld [tilespmem:$0x18580]  }
0x22c: {  	v10 =	vmul.f32 v10, v8;
	_ =	sdelay $0x1  }
0x22d: {  	v9 =	vmul.f32 v10, v9  }
0x22e: {  	v34 =	vld [tilespmem:s19+$0x1090]  }
0x22f: {  	v9 =	vadd.f32 v9, v33;
	_ =	sdelay $0x1  }
0x230: {  	[tilespmem:s19+$0x1080] =	vst v9  }
0x231: {  	v9 =	vld [tilespmem:$0x18290]  }
0x232: {  	v10 =	vsub.f32 v34, v7  }
0x233: {  	v35 =	vld [tilespmem:$0x18590]  }
0x234: {  	v10 =	vmul.f32 v10, v8;
	_ =	sdelay $0x1  }
0x235: {  	v9 =	vmul.f32 v10, v9  }
0x236: {  	v36 =	vld [tilespmem:s19+$0x10A0]  }
0x237: {  	v9 =	vadd.f32 v9, v35;
	_ =	sdelay $0x1  }
0x238: {  	[tilespmem:s19+$0x1090] =	vst v9  }
0x239: {  	v9 =	vld [tilespmem:$0x182A0]  }
0x23a: {  	v10 =	vsub.f32 v36, v7  }
0x23b: {  	v37 =	vld [tilespmem:$0x185A0]  }
0x23c: {  	v10 =	vmul.f32 v10, v8;
	_ =	sdelay $0x1  }
0x23d: {  	v9 =	vmul.f32 v10, v9  }
0x23e: {  	v38 =	vld [tilespmem:s19+$0x10B0]  }
0x23f: {  	v9 =	vadd.f32 v9, v37;
	_ =	sdelay $0x1  }
0x240: {  	[tilespmem:s19+$0x10A0] =	vst v9  }
0x241: {  	v9 =	vld [tilespmem:$0x182B0]  }
0x242: {  	v10 =	vsub.f32 v38, v7  }
0x243: {  	v39 =	vld [tilespmem:$0x185B0]  }
0x244: {  	v10 =	vmul.f32 v10, v8;
	_ =	sdelay $0x1  }
0x245: {  	v9 =	vmul.f32 v10, v9  }
0x246: {  	v40 =	vld [tilespmem:s19+$0x10C0]  }
0x247: {  	v9 =	vadd.f32 v9, v39;
	_ =	sdelay $0x1  }
0x248: {  	[tilespmem:s19+$0x10B0] =	vst v9  }
0x249: {  	v9 =	vld [tilespmem:$0x182C0]  }
0x24a: {  	v10 =	vsub.f32 v40, v7  }
0x24b: {  	v41 =	vld [tilespmem:$0x185C0]  }
0x24c: {  	v10 =	vmul.f32 v10, v8;
	_ =	sdelay $0x1  }
0x24d: {  	v9 =	vmul.f32 v10, v9  }
0x24e: {  	v42 =	vld [tilespmem:s19+$0x10D0]  }
0x24f: {  	v9 =	vadd.f32 v9, v41;
	_ =	sdelay $0x1  }
0x250: {  	[tilespmem:s19+$0x10C0] =	vst v9  }
0x251: {  	v9 =	vld [tilespmem:$0x182D0]  }
0x252: {  	v10 =	vsub.f32 v42, v7  }
0x253: {  	v43 =	vld [tilespmem:$0x185D0]  }
0x254: {  	v10 =	vmul.f32 v10, v8;
	_ =	sdelay $0x1  }
0x255: {  	v9 =	vmul.f32 v10, v9  }
0x256: {  	v44 =	vld [tilespmem:s19+$0x10E0]  }
0x257: {  	v9 =	vadd.f32 v9, v43;
	_ =	sdelay $0x1  }
0x258: {  	[tilespmem:s19+$0x10D0] =	vst v9  }
0x259: {  	v9 =	vld [tilespmem:$0x182E0]  }
0x25a: {  	v10 =	vsub.f32 v44, v7  }
0x25b: {  	v45 =	vld [tilespmem:$0x185E0]  }
0x25c: {  	v10 =	vmul.f32 v10, v8;
	_ =	sdelay $0x1  }
0x25d: {  	v9 =	vmul.f32 v10, v9  }
0x25e: {  	v46 =	vld [tilespmem:s19+$0x10F0]  }
0x25f: {  	v9 =	vadd.f32 v9, v45;
	_ =	sdelay $0x1  }
0x260: {  	[tilespmem:s19+$0x10E0] =	vst v9  }
0x261: {  	v9 =	vld [tilespmem:$0x182F0]  }
0x262: {  	v10 =	vsub.f32 v46, v7  }
0x263: {  	v47 =	vld [tilespmem:$0x185F0]  }
0x264: {  	v10 =	vmul.f32 v10, v8;
	_ =	sdelay $0x1  }
0x265: {  	v9 =	vmul.f32 v10, v9  }
0x266: {  	v48 =	vld [tilespmem:s19+$0x1480]  }
0x267: {  	v9 =	vadd.f32 v9, v47;
	_ =	sdelay $0x1  }
0x268: {  	[tilespmem:s19+$0x10F0] =	vst v9  }
0x269: {  	v9 =	vld [tilespmem:$0x18300]  }
0x26a: {  	v10 =	vsub.f32 v48, v7  }
0x26b: {  	v49 =	vld [tilespmem:$0x18600]  }
0x26c: {  	v10 =	vmul.f32 v10, v8;
	_ =	sdelay $0x1  }
0x26d: {  	v9 =	vmul.f32 v10, v9  }
0x26e: {  	v50 =	vld [tilespmem:s19+$0x1490]  }
0x26f: {  	v9 =	vadd.f32 v9, v49;
	_ =	sdelay $0x1  }
0x270: {  	[tilespmem:s19+$0x1480] =	vst v9  }
0x271: {  	v9 =	vld [tilespmem:$0x18310]  }
0x272: {  	v10 =	vsub.f32 v50, v7  }
0x273: {  	v51 =	vld [tilespmem:$0x18610]  }
0x274: {  	v10 =	vmul.f32 v10, v8;
	_ =	sdelay $0x1  }
0x275: {  	v9 =	vmul.f32 v10, v9  }
0x276: {  	v52 =	vld [tilespmem:s19+$0x14A0]  }
0x277: {  	v9 =	vadd.f32 v9, v51;
	_ =	sdelay $0x1  }
0x278: {  	[tilespmem:s19+$0x1490] =	vst v9  }
0x279: {  	v9 =	vld [tilespmem:$0x18320]  }
0x27a: {  	v10 =	vsub.f32 v52, v7  }
0x27b: {  	v53 =	vld [tilespmem:$0x18620]  }
0x27c: {  	v10 =	vmul.f32 v10, v8;
	_ =	sdelay $0x1  }
0x27d: {  	v9 =	vmul.f32 v10, v9  }
0x27e: {  	v54 =	vld [tilespmem:s19+$0x14B0]  }
0x27f: {  	v9 =	vadd.f32 v9, v53;
	_ =	sdelay $0x1  }
0x280: {  	[tilespmem:s19+$0x14A0] =	vst v9  }
0x281: {  	v9 =	vld [tilespmem:$0x18330]  }
0x282: {  	v10 =	vsub.f32 v54, v7  }
0x283: {  	v55 =	vld [tilespmem:$0x18630]  }
0x284: {  	v10 =	vmul.f32 v10, v8;
	_ =	sdelay $0x1  }
0x285: {  	v9 =	vmul.f32 v10, v9  }
0x286: {  	v56 =	vld [tilespmem:s19+$0x14C0]  }
0x287: {  	v9 =	vadd.f32 v9, v55;
	_ =	sdelay $0x1  }
0x288: {  	[tilespmem:s19+$0x14B0] =	vst v9  }
0x289: {  	v9 =	vld [tilespmem:$0x18340]  }
0x28a: {  	v10 =	vsub.f32 v56, v7  }
0x28b: {  	v57 =	vld [tilespmem:$0x18640]  }
0x28c: {  	v10 =	vmul.f32 v10, v8;
	_ =	sdelay $0x1  }
0x28d: {  	v9 =	vmul.f32 v10, v9  }
0x28e: {  	v58 =	vld [tilespmem:s19+$0x14D0]  }
0x28f: {  	v9 =	vadd.f32 v9, v57;
	_ =	sdelay $0x1  }
0x290: {  	[tilespmem:s19+$0x14C0] =	vst v9  }
0x291: {  	v9 =	vld [tilespmem:$0x18350]  }
0x292: {  	v10 =	vsub.f32 v58, v7  }
0x293: {  	v59 =	vld [tilespmem:$0x18650]  }
0x294: {  	v10 =	vmul.f32 v10, v8;
	_ =	sdelay $0x1  }
0x295: {  	v9 =	vmul.f32 v10, v9  }
0x296: {  	v60 =	vld [tilespmem:s19+$0x14E0]  }
0x297: {  	v9 =	vadd.f32 v9, v59;
	_ =	sdelay $0x1  }
0x298: {  	[tilespmem:s19+$0x14D0] =	vst v9  }
0x299: {  	v9 =	vld [tilespmem:$0x18360]  }
0x29a: {  	v10 =	vsub.f32 v60, v7  }
0x29b: {  	v61 =	vld [tilespmem:$0x18660]  }
0x29c: {  	v10 =	vmul.f32 v10, v8;
	_ =	sdelay $0x1  }
0x29d: {  	v9 =	vmul.f32 v10, v9  }
0x29e: {  	v62 =	vld [tilespmem:s19+$0x14F0]  }
0x29f: {  	v9 =	vadd.f32 v9, v61;
	_ =	sdelay $0x1  }
0x2a0: {  	[tilespmem:s19+$0x14E0] =	vst v9  }
0x2a1: {  	v9 =	vld [tilespmem:$0x18370]  }
0x2a2: {  	v7 =	vsub.f32 v62, v7  }
0x2a3: {  	v63 =	vld [tilespmem:$0x18670]  }
0x2a4: {  	v7 =	vmul.f32 v7, v8  }
0x2a5: {  	p0 =	sne.s32 s18, $0x7F  }
.Ltmp0:
0x2a6: {  	v7 =	vmul.f32 v7, v9;
	(pc) =	sbr.rel @p0 .LBB2_3-.Ltmp0, $3  }
0x2a7: {  	_ = 	snop  }
0x2a8: {  	v7 =	vadd.f32 v7, v63;
	_ =	sdelay $0x1  }
0x2a9: {  	s17 =	sadd.s32 $0x80, s17;
	s18 =	sadd.s32 $0x1, s18;
	[tilespmem:s19+$0x14F0] =	vst v7  }
0x2aa: {  	s16 =	smul.u32 $0x300, s16;
	s5 =	sadd.s32 $0x1, s5  }
0x2ab: {  	s17 =	rddreg [dreg:$0x4];
	p0 =	sne.s32 s5, $0x8  }
.Ltmp1:
0x2ac: {  	s16 =	sadd.s32 s17, s16;
	(pc) =	sbr.rel @p0 .LBB2_2-.Ltmp1, $4  }
0x2ad: {  	[hbm4b:s16+s21] =	stream.linear.scatter [tilespmem:s15], [sflag:$0x2], $0x18000, $0x38;
	[tilespmem:$0x18680] =	vst v63  }
0x2ae: {  	_ =	swait.ge [sflag:s13], $0x18000  }
0x2af: {  	[sflag:s13] =	ssyncset.done $0x0  }
0x2b0: {  	[sflag:s13] =	ssyncadd.s32 $0xFFFE8000  }
0x2b1: {  	s16 =	rddreg [dreg:$0x7]  }
0x2b2: {  	s5 =	rddreg [dreg:$0x6];
	s16 =	sadd.s32 $0x1, s16  }
0x2b3: {  	p0 =	sne.s32 s16, s5  }
.Ltmp2:
0x2b4: {  	_ = 	snop;
	(pc) =	sbr.rel @p0 .LBB2_1-.Ltmp2, $1  }
0x2b5: {  	_ =	sdelay $0x3  }
0x2b6: {  	_ =	sfence.sel $0x180000  }
0x2b7: {  	[bflag:$0x0] =	sbarrier.arrive $0xFFFF  }
0x2b8: {  	_ =	strace $0x90000047  }
0x2b9: {  	s0 =	stileid.u32;
	[bflag:$0x2] =	sbarrier.arrive $0xFFFF  }
0x2ba: {  	p0 =	sne.s32 s0, $0x0;
	s0 =	rddreg [dreg:$0x5]  }
0x2bb: {  	s0 =	sadd.s32 @!p0 $0x100000, s0  }
0x2bc: {  	[sflag:s0] =	ssyncadd.tile.s32 @!p0 $0x1;
	_ =	shalt  }
.Lfunc_end2:
_tile_overlayer_lowered:
.L_overlay_start_2:
0x2bd: {  	(tag) =	ssettag $0x2  }
0x2be: {  	s0 =	rddreg [dreg:$0x0];
	s2 =	stileid.u32  }
0x2bf: {  	s1 =	rddreg [dreg:$0x1];
	p0 =	sne.s32 s2, $0x0  }
0x2c0: {  	s3 =	rddreg [dreg:$0x2];
	[bflag:$0x3] =	sbarrier.arrive $0xFFFF;
	s2 =	simm.s32 @!p0 $0x1C02  }
0x2c1: {  	[timem:s3], [sflag:s2] =	dma.local @!p0 [hbm:s0], s1  }
0x2c2: {  	s0 =	simm.s32 @!p0 $0x2  }
0x2c3: {  	_ =	swait.ge @!p0 [sflag:s0], s1  }
0x2c4: {  	s1 =	ssub.s32 @!p0 $0x0, s1;
	[sflag:s0] =	ssyncset.done @!p0 $0x0  }
0x2c5: {  	[sflag:s0] =	ssyncadd.s32 @!p0 s1  }
0x2c6: {  	[bflag:$0x3] =	sbarrier.arrive $0xFFFF  }
0x2c7: {  	_ =	shalt  }

</sc_bundles>
